<compile_context>
chip_gen: v7x
topology: tpu7x:2x2x1
jax: 0.10.2.dev20260603
libtpu: 0.0.44.dev20260713+nightly
codegen_flags: <defaults>
</compile_context>

<pallas_src>
import functools

import jax
import jax.numpy as jnp
from jax import lax
from jax.experimental import pallas as pl
from jax.experimental.pallas import tpu as pltpu
from jax.experimental.pallas import tpu_sc as plsc

B_ROWS = 16384
SEQ = 200
D = 64
TOTAL = B_ROWS * SEQ
IDX_MINOR = 128
ROWS = 21504
NUM_WORKERS = 32
ROWS_PER_W = ROWS // NUM_WORKERS
S = 2
STEPS = ROWS_PER_W // S
NBUF = 4


def _make_gather():
    mesh = plsc.VectorSubcoreMesh(core_axis_name="c", subcore_axis_name="s")

    @functools.partial(
        pl.kernel,
        mesh=mesh,
        out_type=jax.ShapeDtypeStruct((ROWS, IDX_MINOR, D), jnp.float32),
        scratch_types=[
            pltpu.VMEM((NBUF, S, IDX_MINOR), jnp.int32),
            pltpu.VMEM((NBUF, S, IDX_MINOR, D), jnp.float32),
            pltpu.SemaphoreType.DMA((NBUF,)),
            pltpu.SemaphoreType.DMA((NBUF,)),
            pltpu.SemaphoreType.DMA((NBUF,)),
        ],
        compiler_params=pltpu.CompilerParams(use_tc_tiling_on_sc=False),
    )
    def gather_kernel(idx_hbm, table_hbm, out_hbm, idx_v, rows_v,
                      sem_i, sem_g, sem_o):
        wid = lax.axis_index("s") * 2 + lax.axis_index("c")
        base = wid * ROWS_PER_W

        def idx_cp(step, b):
            return pltpu.make_async_copy(
                idx_hbm.at[pl.ds(base + step * S, S)], idx_v.at[b], sem_i.at[b])

        def gather_cp(b, j):
            return pltpu.make_async_copy(
                table_hbm.at[idx_v.at[b].at[j]], rows_v.at[b].at[j],
                sem_g.at[b])

        def store_cp(step, b):
            return pltpu.make_async_copy(
                rows_v.at[b], out_hbm.at[pl.ds(base + step * S, S)], sem_o.at[b])

        for b in range(NBUF):
            idx_cp(b, b).start()

        def body(i, carry):
            for b in range(NBUF):
                s = NBUF * i + b
                idx_cp(s, b).wait()

                @pl.when(i > 0)
                def _():
                    store_cp(s - NBUF, b).wait()

                for j in range(S):
                    gather_cp(b, j).start()
            for b in range(NBUF):
                s = NBUF * i + b
                for j in range(S):
                    gather_cp(b, j).wait()
                store_cp(s, b).start()

                @pl.when(s + NBUF < STEPS)
                def _():
                    idx_cp(s + NBUF, b).start()

            return carry

        lax.fori_loop(0, STEPS // NBUF, body, 0)

        for b in range(NBUF):
            store_cp(STEPS - NBUF + b, b).wait()

    return gather_kernel


_gather = _make_gather()


def kernel(idxes, pe):
    idx2 = idxes.reshape(TOTAL // IDX_MINOR, IDX_MINOR)
    out_sc = _gather(idx2[:ROWS], pe)
    out_tc = jnp.take(pe, idx2[ROWS:], axis=0)
    out = jnp.concatenate([out_sc, out_tc], axis=0)
    return out.reshape(B_ROWS, SEQ, D)

# --- scband reference (transcript-rebuilt; emitter-appended) ---
"""Pipeline reference for scband-positional-encoding-13915694039430 (READ-ONLY COPY).

The authoritative reference and input builder live on the scoring server;
editing this copy changes nothing except your own understanding.
"""

import jax, jax.numpy as jnp
import numpy as np

NUM_EMBEDDINGS = 100000
EMBEDDING_DIM = 64

def build_pe(num_embeddings, embedding_dim):
    position = np.arange(0, num_embeddings, dtype=np.float32)[:, None]
    div_term = np.exp(np.arange(0, embedding_dim, 2).astype(np.float32) * (-np.log(10000.0) / embedding_dim))
    pe = np.zeros((num_embeddings, embedding_dim), dtype=np.float32)
    pe[:, 0::2] = np.sin(position * div_term)
    pe[:, 1::2] = np.cos(position * div_term)
    return jnp.asarray(pe)

def setup_inputs(seed: int = 0) -> dict:
    key = jax.random.key(seed)
    idxes = jax.random.randint(key, (16384, 200), 0, NUM_EMBEDDINGS, dtype=jnp.int64 if jax.config.jax_enable_x64 else jnp.int32)
    pe = build_pe(NUM_EMBEDDINGS, EMBEDDING_DIM)
    return {"idxes": idxes, "pe": pe}

def reference(idxes, pe):
    # Faithful translation of: return self.pe[idxes, :]
    return jnp.take(pe, idxes, axis=0)

if __name__ == "__main__":
    import jax
    _d = setup_inputs()
    print(jax.jit(kernel)(*tuple(_d.values())))

</pallas_src>

<mosaic_0001>
#map = affine_map<(d0, d1) -> (0, 0)>
#map1 = affine_map<(d0, d1) -> (0, 0, 0)>
module attributes {stable_mosaic.version = 14 : i64} {
  func.func @gather_kernel(%arg0: i32, %arg1: i32, %arg2: memref<21504x128xi32, #tpu.memory_space<hbm>>, %arg3: memref<100000x64xf32, #tpu.memory_space<hbm>>, %arg4: memref<21504x128x64xf32, #tpu.memory_space<hbm>>, %arg5: memref<4x2x128xi32, #tpu.memory_space<vmem>>, %arg6: memref<4x2x128x64xf32, #tpu.memory_space<vmem>>, %arg7: memref<4x!tpu.dma_semaphore, #tpu.memory_space<semaphore_mem>>, %arg8: memref<4x!tpu.dma_semaphore, #tpu.memory_space<semaphore_mem>>, %arg9: memref<4x!tpu.dma_semaphore, #tpu.memory_space<semaphore_mem>>) attributes {dimension_semantics = [#tpu.dimension_semantics<core_parallel>, #tpu.dimension_semantics<subcore_parallel>], iteration_bounds = array<i64: 2, 16>, scalar_prefetch = 0 : i64, scratch_operands = 5 : i64, tpu.core_type = #tpu.core_type<sc_vector_subcore>, window_params = [{transform_indices = #map}, {transform_indices = #map}, {transform_indices = #map1}]} {
    %mul3A = arith.constant 2 : i32
    %mul3A_0 = arith.muli %arg1, %mul3A : i32
    %add3A = arith.addi %mul3A_0, %arg0 : i32
    %mul3A_1 = arith.constant 672 : i32
    %mul3A_2 = arith.muli %add3A, %mul3A_1 : i32
    %add3A_3 = arith.constant 0 : i32
    %add3A_4 = arith.addi %mul3A_2, %add3A_3 : i32
    %dma_start3A = arith.constant 0 : i32
    %dma_start3A_5 = arith.constant 0 : i32
    %dma_start3A_6 = arith.constant 0 : i32
    %dma_start3A_7 = arith.constant 0 : i32
    %dma_start3A_8 = tpu.memref_slice %arg5[%dma_start3A, %dma_start3A_6, %dma_start3A_7] : memref<4x2x128xi32, #tpu.memory_space<vmem>> -> memref<1x2x128xi32, #tpu.memory_space<vmem>>
    %dma_start3A_9 = tpu.memref_squeeze %dma_start3A_8 : memref<1x2x128xi32, #tpu.memory_space<vmem>> -> memref<2x128xi32, #tpu.memory_space<vmem>>
    %dma_start3A_10 = arith.constant 0 : i32
    %dma_start3A_11 = tpu.memref_slice %arg2[%add3A_4, %dma_start3A_10] : memref<21504x128xi32, #tpu.memory_space<hbm>> -> memref<2x128xi32, #tpu.memory_space<hbm>>
    %dma_start3A_12 = tpu.memref_slice %arg7[%dma_start3A_5] : memref<4x!tpu.dma_semaphore, #tpu.memory_space<semaphore_mem>> -> memref<1x!tpu.dma_semaphore, #tpu.memory_space<semaphore_mem>>
    %dma_start3A_13 = tpu.memref_squeeze %dma_start3A_12 : memref<1x!tpu.dma_semaphore, #tpu.memory_space<semaphore_mem>> -> memref<!tpu.dma_semaphore, #tpu.memory_space<semaphore_mem>>
    %dma_start3A_14 = arith.constant 0 : i32
    %dma_start3A_15 = arith.constant 0 : i32
    %dma_start3A_16 = tpu.memref_slice %arg5[%dma_start3A, %dma_start3A_14, %dma_start3A_15] : memref<4x2x128xi32, #tpu.memory_space<vmem>> -> memref<1x2x128xi32, #tpu.memory_space<vmem>>
    %dma_start3A_17 = tpu.memref_squeeze %dma_start3A_16 : memref<1x2x128xi32, #tpu.memory_space<vmem>> -> memref<2x128xi32, #tpu.memory_space<vmem>>
    %dma_start3A_18 = arith.constant 0 : i32
    %dma_start3A_19 = tpu.memref_slice %arg2[%add3A_4, %dma_start3A_18] : memref<21504x128xi32, #tpu.memory_space<hbm>> -> memref<2x128xi32, #tpu.memory_space<hbm>>
    tpu.enqueue_dma source(%dma_start3A_19 : memref<2x128xi32, #tpu.memory_space<hbm>>) target(%dma_start3A_17 : memref<2x128xi32, #tpu.memory_space<vmem>>) target_semaphore(%dma_start3A_13 : memref<!tpu.dma_semaphore, #tpu.memory_space<semaphore_mem>>)
    %add3A_20 = arith.constant 2 : i32
    %add3A_21 = arith.addi %mul3A_2, %add3A_20 : i32
    %dma_start3A_22 = arith.constant 1 : i32
    %dma_start3A_23 = arith.constant 1 : i32
    %dma_start3A_24 = arith.constant 0 : i32
    %dma_start3A_25 = arith.constant 0 : i32
    %dma_start3A_26 = tpu.memref_slice %arg5[%dma_start3A_22, %dma_start3A_24, %dma_start3A_25] : memref<4x2x128xi32, #tpu.memory_space<vmem>> -> memref<1x2x128xi32, #tpu.memory_space<vmem>>
    %dma_start3A_27 = tpu.memref_squeeze %dma_start3A_26 : memref<1x2x128xi32, #tpu.memory_space<vmem>> -> memref<2x128xi32, #tpu.memory_space<vmem>>
    %dma_start3A_28 = arith.constant 0 : i32
    %dma_start3A_29 = tpu.memref_slice %arg2[%add3A_21, %dma_start3A_28] : memref<21504x128xi32, #tpu.memory_space<hbm>> -> memref<2x128xi32, #tpu.memory_space<hbm>>
    %dma_start3A_30 = tpu.memref_slice %arg7[%dma_start3A_23] : memref<4x!tpu.dma_semaphore, #tpu.memory_space<semaphore_mem>> -> memref<1x!tpu.dma_semaphore, #tpu.memory_space<semaphore_mem>>
    %dma_start3A_31 = tpu.memref_squeeze %dma_start3A_30 : memref<1x!tpu.dma_semaphore, #tpu.memory_space<semaphore_mem>> -> memref<!tpu.dma_semaphore, #tpu.memory_space<semaphore_mem>>
    %dma_start3A_32 = arith.constant 0 : i32
    %dma_start3A_33 = arith.constant 0 : i32
    %dma_start3A_34 = tpu.memref_slice %arg5[%dma_start3A_22, %dma_start3A_32, %dma_start3A_33] : memref<4x2x128xi32, #tpu.memory_space<vmem>> -> memref<1x2x128xi32, #tpu.memory_space<vmem>>
    %dma_start3A_35 = tpu.memref_squeeze %dma_start3A_34 : memref<1x2x128xi32, #tpu.memory_space<vmem>> -> memref<2x128xi32, #tpu.memory_space<vmem>>
    %dma_start3A_36 = arith.constant 0 : i32
    %dma_start3A_37 = tpu.memref_slice %arg2[%add3A_21, %dma_start3A_36] : memref<21504x128xi32, #tpu.memory_space<hbm>> -> memref<2x128xi32, #tpu.memory_space<hbm>>
    tpu.enqueue_dma source(%dma_start3A_37 : memref<2x128xi32, #tpu.memory_space<hbm>>) target(%dma_start3A_35 : memref<2x128xi32, #tpu.memory_space<vmem>>) target_semaphore(%dma_start3A_31 : memref<!tpu.dma_semaphore, #tpu.memory_space<semaphore_mem>>)
    %add3A_38 = arith.constant 4 : i32
    %add3A_39 = arith.addi %mul3A_2, %add3A_38 : i32
    %dma_start3A_40 = arith.constant 2 : i32
    %dma_start3A_41 = arith.constant 2 : i32
    %dma_start3A_42 = arith.constant 0 : i32
    %dma_start3A_43 = arith.constant 0 : i32
    %dma_start3A_44 = tpu.memref_slice %arg5[%dma_start3A_40, %dma_start3A_42, %dma_start3A_43] : memref<4x2x128xi32, #tpu.memory_space<vmem>> -> memref<1x2x128xi32, #tpu.memory_space<vmem>>
    %dma_start3A_45 = tpu.memref_squeeze %dma_start3A_44 : memref<1x2x128xi32, #tpu.memory_space<vmem>> -> memref<2x128xi32, #tpu.memory_space<vmem>>
    %dma_start3A_46 = arith.constant 0 : i32
    %dma_start3A_47 = tpu.memref_slice %arg2[%add3A_39, %dma_start3A_46] : memref<21504x128xi32, #tpu.memory_space<hbm>> -> memref<2x128xi32, #tpu.memory_space<hbm>>
    %dma_start3A_48 = tpu.memref_slice %arg7[%dma_start3A_41] : memref<4x!tpu.dma_semaphore, #tpu.memory_space<semaphore_mem>> -> memref<1x!tpu.dma_semaphore, #tpu.memory_space<semaphore_mem>>
    %dma_start3A_49 = tpu.memref_squeeze %dma_start3A_48 : memref<1x!tpu.dma_semaphore, #tpu.memory_space<semaphore_mem>> -> memref<!tpu.dma_semaphore, #tpu.memory_space<semaphore_mem>>
    %dma_start3A_50 = arith.constant 0 : i32
    %dma_start3A_51 = arith.constant 0 : i32
    %dma_start3A_52 = tpu.memref_slice %arg5[%dma_start3A_40, %dma_start3A_50, %dma_start3A_51] : memref<4x2x128xi32, #tpu.memory_space<vmem>> -> memref<1x2x128xi32, #tpu.memory_space<vmem>>
    %dma_start3A_53 = tpu.memref_squeeze %dma_start3A_52 : memref<1x2x128xi32, #tpu.memory_space<vmem>> -> memref<2x128xi32, #tpu.memory_space<vmem>>
    %dma_start3A_54 = arith.constant 0 : i32
    %dma_start3A_55 = tpu.memref_slice %arg2[%add3A_39, %dma_start3A_54] : memref<21504x128xi32, #tpu.memory_space<hbm>> -> memref<2x128xi32, #tpu.memory_space<hbm>>
    tpu.enqueue_dma source(%dma_start3A_55 : memref<2x128xi32, #tpu.memory_space<hbm>>) target(%dma_start3A_53 : memref<2x128xi32, #tpu.memory_space<vmem>>) target_semaphore(%dma_start3A_49 : memref<!tpu.dma_semaphore, #tpu.memory_space<semaphore_mem>>)
    %add3A_56 = arith.constant 6 : i32
    %add3A_57 = arith.addi %mul3A_2, %add3A_56 : i32
    %dma_start3A_58 = arith.constant 3 : i32
    %dma_start3A_59 = arith.constant 3 : i32
    %dma_start3A_60 = arith.constant 0 : i32
    %dma_start3A_61 = arith.constant 0 : i32
    %dma_start3A_62 = tpu.memref_slice %arg5[%dma_start3A_58, %dma_start3A_60, %dma_start3A_61] : memref<4x2x128xi32, #tpu.memory_space<vmem>> -> memref<1x2x128xi32, #tpu.memory_space<vmem>>
    %dma_start3A_63 = tpu.memref_squeeze %dma_start3A_62 : memref<1x2x128xi32, #tpu.memory_space<vmem>> -> memref<2x128xi32, #tpu.memory_space<vmem>>
    %dma_start3A_64 = arith.constant 0 : i32
    %dma_start3A_65 = tpu.memref_slice %arg2[%add3A_57, %dma_start3A_64] : memref<21504x128xi32, #tpu.memory_space<hbm>> -> memref<2x128xi32, #tpu.memory_space<hbm>>
    %dma_start3A_66 = tpu.memref_slice %arg7[%dma_start3A_59] : memref<4x!tpu.dma_semaphore, #tpu.memory_space<semaphore_mem>> -> memref<1x!tpu.dma_semaphore, #tpu.memory_space<semaphore_mem>>
    %dma_start3A_67 = tpu.memref_squeeze %dma_start3A_66 : memref<1x!tpu.dma_semaphore, #tpu.memory_space<semaphore_mem>> -> memref<!tpu.dma_semaphore, #tpu.memory_space<semaphore_mem>>
    %dma_start3A_68 = arith.constant 0 : i32
    %dma_start3A_69 = arith.constant 0 : i32
    %dma_start3A_70 = tpu.memref_slice %arg5[%dma_start3A_58, %dma_start3A_68, %dma_start3A_69] : memref<4x2x128xi32, #tpu.memory_space<vmem>> -> memref<1x2x128xi32, #tpu.memory_space<vmem>>
    %dma_start3A_71 = tpu.memref_squeeze %dma_start3A_70 : memref<1x2x128xi32, #tpu.memory_space<vmem>> -> memref<2x128xi32, #tpu.memory_space<vmem>>
    %dma_start3A_72 = arith.constant 0 : i32
    %dma_start3A_73 = tpu.memref_slice %arg2[%add3A_57, %dma_start3A_72] : memref<21504x128xi32, #tpu.memory_space<hbm>> -> memref<2x128xi32, #tpu.memory_space<hbm>>
    tpu.enqueue_dma source(%dma_start3A_73 : memref<2x128xi32, #tpu.memory_space<hbm>>) target(%dma_start3A_71 : memref<2x128xi32, #tpu.memory_space<vmem>>) target_semaphore(%dma_start3A_67 : memref<!tpu.dma_semaphore, #tpu.memory_space<semaphore_mem>>)
    %scan3A = arith.constant 0 : i32
    %scan3A_74 = arith.constant 0 : i32
    %scan3A_75 = arith.constant 84 : i32
    %scan3A_76 = arith.addi %scan3A_74, %scan3A_75 : i32
    %scan3A_77 = arith.constant 1 : i32
    scf.for %scan3A_166 = %scan3A_74 to %scan3A_76 step %scan3A_77  : i32 {
      %mul3A_167 = arith.constant 4 : i32
      %mul3A_168 = arith.muli %mul3A_167, %scan3A_166 : i32
      %add3A_169 = arith.constant 0 : i32
      %add3A_170 = arith.addi %mul3A_168, %add3A_169 : i32
      %mul3A_171 = arith.constant 2 : i32
      %mul3A_172 = arith.muli %add3A_170, %mul3A_171 : i32
      %add3A_173 = arith.addi %mul3A_2, %mul3A_172 : i32
      %dma_wait3A_174 = arith.constant 0 : i32
      %dma_wait3A_175 = arith.constant 0 : i32
      %dma_wait3A_176 = arith.constant 0 : i32
      %dma_wait3A_177 = arith.constant 0 : i32
      %dma_wait3A_178 = tpu.memref_slice %arg5[%dma_wait3A_174, %dma_wait3A_176, %dma_wait3A_177] : memref<4x2x128xi32, #tpu.memory_space<vmem>> -> memref<1x2x128xi32, #tpu.memory_space<vmem>>
      %dma_wait3A_179 = tpu.memref_squeeze %dma_wait3A_178 : memref<1x2x128xi32, #tpu.memory_space<vmem>> -> memref<2x128xi32, #tpu.memory_space<vmem>>
      %dma_wait3A_180 = arith.constant 0 : i32
      %dma_wait3A_181 = tpu.memref_slice %arg2[%add3A_173, %dma_wait3A_180] : memref<21504x128xi32, #tpu.memory_space<hbm>> -> memref<2x128xi32, #tpu.memory_space<hbm>>
      %dma_wait3A_182 = tpu.memref_slice %arg7[%dma_wait3A_175] : memref<4x!tpu.dma_semaphore, #tpu.memory_space<semaphore_mem>> -> memref<1x!tpu.dma_semaphore, #tpu.memory_space<semaphore_mem>>
      %dma_wait3A_183 = tpu.memref_squeeze %dma_wait3A_182 : memref<1x!tpu.dma_semaphore, #tpu.memory_space<semaphore_mem>> -> memref<!tpu.dma_semaphore, #tpu.memory_space<semaphore_mem>>
      %dma_wait3A_184 = arith.constant 0 : i32
      %dma_wait3A_185 = arith.constant 0 : i32
      %dma_wait3A_186 = tpu.memref_slice %arg5[%dma_wait3A_174, %dma_wait3A_184, %dma_wait3A_185] : memref<4x2x128xi32, #tpu.memory_space<vmem>> -> memref<1x2x128xi32, #tpu.memory_space<vmem>>
      %dma_wait3A_187 = tpu.memref_squeeze %dma_wait3A_186 : memref<1x2x128xi32, #tpu.memory_space<vmem>> -> memref<2x128xi32, #tpu.memory_space<vmem>>
      %dma_wait3A_188 = arith.constant 0 : i32
      %dma_wait3A_189 = tpu.memref_slice %arg2[%add3A_173, %dma_wait3A_188] : memref<21504x128xi32, #tpu.memory_space<hbm>> -> memref<2x128xi32, #tpu.memory_space<hbm>>
      tpu.wait_dma2 semaphore(%dma_wait3A_183 : memref<!tpu.dma_semaphore, #tpu.memory_space<semaphore_mem>>) src(%dma_wait3A_189 : memref<2x128xi32, #tpu.memory_space<hbm>>) dst(%dma_wait3A_187 : memref<2x128xi32, #tpu.memory_space<vmem>>)
      %gt3A = arith.constant 0 : i32
      %gt3A_190 = arith.cmpi sgt, %scan3A_166, %gt3A : i32
      %convert_element_type3A = arith.extui %gt3A_190 : i1 to i32
      %cond3A = arith.constant 0 : i32
      %cond3A_191 = arith.cmpi ne, %convert_element_type3A, %cond3A : i32
      scf.if %cond3A_191 {
        %sub3A = arith.constant 4 : i32
        %sub3A_827 = arith.subi %add3A_170, %sub3A : i32
        %mul3A_828 = arith.constant 2 : i32
        %mul3A_829 = arith.muli %sub3A_827, %mul3A_828 : i32
        %add3A_830 = arith.addi %mul3A_2, %mul3A_829 : i32
        %dma_wait3A_831 = arith.constant 0 : i32
        %dma_wait3A_832 = arith.constant 0 : i32
        %dma_wait3A_833 = arith.constant 0 : i32
        %dma_wait3A_834 = arith.constant 0 : i32
        %dma_wait3A_835 = arith.constant 0 : i32
        %dma_wait3A_836 = tpu.memref_slice %arg6[%dma_wait3A_831, %dma_wait3A_833, %dma_wait3A_834, %dma_wait3A_835] : memref<4x2x128x64xf32, #tpu.memory_space<vmem>> -> memref<1x2x128x64xf32, #tpu.memory_space<vmem>>
        %dma_wait3A_837 = tpu.memref_squeeze %dma_wait3A_836 : memref<1x2x128x64xf32, #tpu.memory_space<vmem>> -> memref<2x128x64xf32, #tpu.memory_space<vmem>>
        %dma_wait3A_838 = arith.constant 0 : i32
        %dma_wait3A_839 = arith.constant 0 : i32
        %dma_wait3A_840 = tpu.memref_slice %arg4[%add3A_830, %dma_wait3A_838, %dma_wait3A_839] : memref<21504x128x64xf32, #tpu.memory_space<hbm>> -> memref<2x128x64xf32, #tpu.memory_space<hbm>>
        %dma_wait3A_841 = tpu.memref_slice %arg9[%dma_wait3A_832] : memref<4x!tpu.dma_semaphore, #tpu.memory_space<semaphore_mem>> -> memref<1x!tpu.dma_semaphore, #tpu.memory_space<semaphore_mem>>
        %dma_wait3A_842 = tpu.memref_squeeze %dma_wait3A_841 : memref<1x!tpu.dma_semaphore, #tpu.memory_space<semaphore_mem>> -> memref<!tpu.dma_semaphore, #tpu.memory_space<semaphore_mem>>
        %dma_wait3A_843 = arith.constant 0 : i32
        %dma_wait3A_844 = arith.constant 0 : i32
        %dma_wait3A_845 = tpu.memref_slice %arg4[%add3A_830, %dma_wait3A_843, %dma_wait3A_844] : memref<21504x128x64xf32, #tpu.memory_space<hbm>> -> memref<2x128x64xf32, #tpu.memory_space<hbm>>
        %dma_wait3A_846 = arith.constant 0 : i32
        %dma_wait3A_847 = arith.constant 0 : i32
        %dma_wait3A_848 = arith.constant 0 : i32
        %dma_wait3A_849 = tpu.memref_slice %arg6[%dma_wait3A_831, %dma_wait3A_846, %dma_wait3A_847, %dma_wait3A_848] : memref<4x2x128x64xf32, #tpu.memory_space<vmem>> -> memref<1x2x128x64xf32, #tpu.memory_space<vmem>>
        %dma_wait3A_850 = tpu.memref_squeeze %dma_wait3A_849 : memref<1x2x128x64xf32, #tpu.memory_space<vmem>> -> memref<2x128x64xf32, #tpu.memory_space<vmem>>
        tpu.wait_dma2 semaphore(%dma_wait3A_842 : memref<!tpu.dma_semaphore, #tpu.memory_space<semaphore_mem>>) src(%dma_wait3A_850 : memref<2x128x64xf32, #tpu.memory_space<vmem>>) dst(%dma_wait3A_845 : memref<2x128x64xf32, #tpu.memory_space<hbm>>)
      } else {
      }
      %dma_start3A_192 = arith.constant 0 : i32
      %dma_start3A_193 = arith.constant 0 : i32
      %dma_start3A_194 = arith.constant 0 : i32
      %dma_start3A_195 = arith.constant 0 : i32
      %dma_start3A_196 = arith.constant 0 : i32
      %dma_start3A_197 = arith.constant 0 : i32
      %dma_start3A_198 = arith.constant 0 : i32
      %dma_start3A_199 = arith.constant 0 : i32
      %dma_start3A_200 = tpu.memref_slice %arg6[%dma_start3A_194, %dma_start3A_197, %dma_start3A_198, %dma_start3A_199] : memref<4x2x128x64xf32, #tpu.memory_space<vmem>> -> memref<1x2x128x64xf32, #tpu.memory_space<vmem>>
      %dma_start3A_201 = tpu.memref_squeeze %dma_start3A_200 : memref<1x2x128x64xf32, #tpu.memory_space<vmem>> -> memref<2x128x64xf32, #tpu.memory_space<vmem>>
      %dma_start3A_202 = arith.constant 0 : i32
      %dma_start3A_203 = arith.constant 0 : i32
      %dma_start3A_204 = tpu.memref_slice %dma_start3A_201[%dma_start3A_195, %dma_start3A_202, %dma_start3A_203] : memref<2x128x64xf32, #tpu.memory_space<vmem>> -> memref<1x128x64xf32, #tpu.memory_space<vmem>>
      %dma_start3A_205 = tpu.memref_squeeze %dma_start3A_204 : memref<1x128x64xf32, #tpu.memory_space<vmem>> -> memref<128x64xf32, #tpu.memory_space<vmem>>
      %dma_start3A_206 = arith.constant 0 : i32
      %dma_start3A_207 = arith.constant 0 : i32
      %dma_start3A_208 = tpu.memref_slice %arg5[%dma_start3A_192, %dma_start3A_206, %dma_start3A_207] : memref<4x2x128xi32, #tpu.memory_space<vmem>> -> memref<1x2x128xi32, #tpu.memory_space<vmem>>
      %dma_start3A_209 = tpu.memref_squeeze %dma_start3A_208 : memref<1x2x128xi32, #tpu.memory_space<vmem>> -> memref<2x128xi32, #tpu.memory_space<vmem>>
      %dma_start3A_210 = arith.constant 0 : i32
      %dma_start3A_211 = tpu.memref_slice %dma_start3A_209[%dma_start3A_193, %dma_start3A_210] : memref<2x128xi32, #tpu.memory_space<vmem>> -> memref<1x128xi32, #tpu.memory_space<vmem>>
      %dma_start3A_212 = tpu.memref_squeeze %dma_start3A_211 : memref<1x128xi32, #tpu.memory_space<vmem>> -> memref<128xi32, #tpu.memory_space<vmem>>
      %dma_start3A_213 = arith.constant 0 : i32
      %dma_start3A_214 = arith.constant 0 : i32
      %dma_start3A_215 = tpu.memref_slice %arg3[%dma_start3A_213, %dma_start3A_214] : memref<100000x64xf32, #tpu.memory_space<hbm>> -> memref<100000x64xf32, #tpu.memory_space<hbm>>
      %dma_start3A_216 = tpu.memref_slice %arg8[%dma_start3A_196] : memref<4x!tpu.dma_semaphore, #tpu.memory_space<semaphore_mem>> -> memref<1x!tpu.dma_semaphore, #tpu.memory_space<semaphore_mem>>
      %dma_start3A_217 = tpu.memref_squeeze %dma_start3A_216 : memref<1x!tpu.dma_semaphore, #tpu.memory_space<semaphore_mem>> -> memref<!tpu.dma_semaphore, #tpu.memory_space<semaphore_mem>>
      tpu.enqueue_indirect_dma source(%dma_start3A_215 : memref<100000x64xf32, #tpu.memory_space<hbm>>) target(%dma_start3A_205 : memref<128x64xf32, #tpu.memory_space<vmem>>) offsets(%dma_start3A_212 : memref<128xi32, #tpu.memory_space<vmem>>) semaphore(%dma_start3A_217 : memref<!tpu.dma_semaphore, #tpu.memory_space<semaphore_mem>>)
      %dma_start3A_218 = arith.constant 0 : i32
      %dma_start3A_219 = arith.constant 1 : i32
      %dma_start3A_220 = arith.constant 0 : i32
      %dma_start3A_221 = arith.constant 1 : i32
      %dma_start3A_222 = arith.constant 0 : i32
      %dma_start3A_223 = arith.constant 0 : i32
      %dma_start3A_224 = arith.constant 0 : i32
      %dma_start3A_225 = arith.constant 0 : i32
      %dma_start3A_226 = tpu.memref_slice %arg6[%dma_start3A_220, %dma_start3A_223, %dma_start3A_224, %dma_start3A_225] : memref<4x2x128x64xf32, #tpu.memory_space<vmem>> -> memref<1x2x128x64xf32, #tpu.memory_space<vmem>>
      %dma_start3A_227 = tpu.memref_squeeze %dma_start3A_226 : memref<1x2x128x64xf32, #tpu.memory_space<vmem>> -> memref<2x128x64xf32, #tpu.memory_space<vmem>>
      %dma_start3A_228 = arith.constant 0 : i32
      %dma_start3A_229 = arith.constant 0 : i32
      %dma_start3A_230 = tpu.memref_slice %dma_start3A_227[%dma_start3A_221, %dma_start3A_228, %dma_start3A_229] : memref<2x128x64xf32, #tpu.memory_space<vmem>> -> memref<1x128x64xf32, #tpu.memory_space<vmem>>
      %dma_start3A_231 = tpu.memref_squeeze %dma_start3A_230 : memref<1x128x64xf32, #tpu.memory_space<vmem>> -> memref<128x64xf32, #tpu.memory_space<vmem>>
      %dma_start3A_232 = arith.constant 0 : i32
      %dma_start3A_233 = arith.constant 0 : i32
      %dma_start3A_234 = tpu.memref_slice %arg5[%dma_start3A_218, %dma_start3A_232, %dma_start3A_233] : memref<4x2x128xi32, #tpu.memory_space<vmem>> -> memref<1x2x128xi32, #tpu.memory_space<vmem>>
      %dma_start3A_235 = tpu.memref_squeeze %dma_start3A_234 : memref<1x2x128xi32, #tpu.memory_space<vmem>> -> memref<2x128xi32, #tpu.memory_space<vmem>>
      %dma_start3A_236 = arith.constant 0 : i32
      %dma_start3A_237 = tpu.memref_slice %dma_start3A_235[%dma_start3A_219, %dma_start3A_236] : memref<2x128xi32, #tpu.memory_space<vmem>> -> memref<1x128xi32, #tpu.memory_space<vmem>>
      %dma_start3A_238 = tpu.memref_squeeze %dma_start3A_237 : memref<1x128xi32, #tpu.memory_space<vmem>> -> memref<128xi32, #tpu.memory_space<vmem>>
      %dma_start3A_239 = arith.constant 0 : i32
      %dma_start3A_240 = arith.constant 0 : i32
      %dma_start3A_241 = tpu.memref_slice %arg3[%dma_start3A_239, %dma_start3A_240] : memref<100000x64xf32, #tpu.memory_space<hbm>> -> memref<100000x64xf32, #tpu.memory_space<hbm>>
      %dma_start3A_242 = tpu.memref_slice %arg8[%dma_start3A_222] : memref<4x!tpu.dma_semaphore, #tpu.memory_space<semaphore_mem>> -> memref<1x!tpu.dma_semaphore, #tpu.memory_space<semaphore_mem>>
      %dma_start3A_243 = tpu.memref_squeeze %dma_start3A_242 : memref<1x!tpu.dma_semaphore, #tpu.memory_space<semaphore_mem>> -> memref<!tpu.dma_semaphore, #tpu.memory_space<semaphore_mem>>
      tpu.enqueue_indirect_dma source(%dma_start3A_241 : memref<100000x64xf32, #tpu.memory_space<hbm>>) target(%dma_start3A_231 : memref<128x64xf32, #tpu.memory_space<vmem>>) offsets(%dma_start3A_238 : memref<128xi32, #tpu.memory_space<vmem>>) semaphore(%dma_start3A_243 : memref<!tpu.dma_semaphore, #tpu.memory_space<semaphore_mem>>)
      %mul3A_244 = arith.constant 4 : i32
      %mul3A_245 = arith.muli %mul3A_244, %scan3A_166 : i32
      %add3A_246 = arith.constant 1 : i32
      %add3A_247 = arith.addi %mul3A_245, %add3A_246 : i32
      %mul3A_248 = arith.constant 2 : i32
      %mul3A_249 = arith.muli %add3A_247, %mul3A_248 : i32
      %add3A_250 = arith.addi %mul3A_2, %mul3A_249 : i32
      %dma_wait3A_251 = arith.constant 1 : i32
      %dma_wait3A_252 = arith.constant 1 : i32
      %dma_wait3A_253 = arith.constant 0 : i32
      %dma_wait3A_254 = arith.constant 0 : i32
      %dma_wait3A_255 = tpu.memref_slice %arg5[%dma_wait3A_251, %dma_wait3A_253, %dma_wait3A_254] : memref<4x2x128xi32, #tpu.memory_space<vmem>> -> memref<1x2x128xi32, #tpu.memory_space<vmem>>
      %dma_wait3A_256 = tpu.memref_squeeze %dma_wait3A_255 : memref<1x2x128xi32, #tpu.memory_space<vmem>> -> memref<2x128xi32, #tpu.memory_space<vmem>>
      %dma_wait3A_257 = arith.constant 0 : i32
      %dma_wait3A_258 = tpu.memref_slice %arg2[%add3A_250, %dma_wait3A_257] : memref<21504x128xi32, #tpu.memory_space<hbm>> -> memref<2x128xi32, #tpu.memory_space<hbm>>
      %dma_wait3A_259 = tpu.memref_slice %arg7[%dma_wait3A_252] : memref<4x!tpu.dma_semaphore, #tpu.memory_space<semaphore_mem>> -> memref<1x!tpu.dma_semaphore, #tpu.memory_space<semaphore_mem>>
      %dma_wait3A_260 = tpu.memref_squeeze %dma_wait3A_259 : memref<1x!tpu.dma_semaphore, #tpu.memory_space<semaphore_mem>> -> memref<!tpu.dma_semaphore, #tpu.memory_space<semaphore_mem>>
      %dma_wait3A_261 = arith.constant 0 : i32
      %dma_wait3A_262 = arith.constant 0 : i32
      %dma_wait3A_263 = tpu.memref_slice %arg5[%dma_wait3A_251, %dma_wait3A_261, %dma_wait3A_262] : memref<4x2x128xi32, #tpu.memory_space<vmem>> -> memref<1x2x128xi32, #tpu.memory_space<vmem>>
      %dma_wait3A_264 = tpu.memref_squeeze %dma_wait3A_263 : memref<1x2x128xi32, #tpu.memory_space<vmem>> -> memref<2x128xi32, #tpu.memory_space<vmem>>
      %dma_wait3A_265 = arith.constant 0 : i32
      %dma_wait3A_266 = tpu.memref_slice %arg2[%add3A_250, %dma_wait3A_265] : memref<21504x128xi32, #tpu.memory_space<hbm>> -> memref<2x128xi32, #tpu.memory_space<hbm>>
      tpu.wait_dma2 semaphore(%dma_wait3A_260 : memref<!tpu.dma_semaphore, #tpu.memory_space<semaphore_mem>>) src(%dma_wait3A_266 : memref<2x128xi32, #tpu.memory_space<hbm>>) dst(%dma_wait3A_264 : memref<2x128xi32, #tpu.memory_space<vmem>>)
      %gt3A_267 = arith.constant 0 : i32
      %gt3A_268 = arith.cmpi sgt, %scan3A_166, %gt3A_267 : i32
      %convert_element_type3A_269 = arith.extui %gt3A_268 : i1 to i32
      %cond3A_270 = arith.constant 0 : i32
      %cond3A_271 = arith.cmpi ne, %convert_element_type3A_269, %cond3A_270 : i32
      scf.if %cond3A_271 {
        %sub3A = arith.constant 4 : i32
        %sub3A_827 = arith.subi %add3A_247, %sub3A : i32
        %mul3A_828 = arith.constant 2 : i32
        %mul3A_829 = arith.muli %sub3A_827, %mul3A_828 : i32
        %add3A_830 = arith.addi %mul3A_2, %mul3A_829 : i32
        %dma_wait3A_831 = arith.constant 1 : i32
        %dma_wait3A_832 = arith.constant 1 : i32
        %dma_wait3A_833 = arith.constant 0 : i32
        %dma_wait3A_834 = arith.constant 0 : i32
        %dma_wait3A_835 = arith.constant 0 : i32
        %dma_wait3A_836 = tpu.memref_slice %arg6[%dma_wait3A_831, %dma_wait3A_833, %dma_wait3A_834, %dma_wait3A_835] : memref<4x2x128x64xf32, #tpu.memory_space<vmem>> -> memref<1x2x128x64xf32, #tpu.memory_space<vmem>>
        %dma_wait3A_837 = tpu.memref_squeeze %dma_wait3A_836 : memref<1x2x128x64xf32, #tpu.memory_space<vmem>> -> memref<2x128x64xf32, #tpu.memory_space<vmem>>
        %dma_wait3A_838 = arith.constant 0 : i32
        %dma_wait3A_839 = arith.constant 0 : i32
        %dma_wait3A_840 = tpu.memref_slice %arg4[%add3A_830, %dma_wait3A_838, %dma_wait3A_839] : memref<21504x128x64xf32, #tpu.memory_space<hbm>> -> memref<2x128x64xf32, #tpu.memory_space<hbm>>
        %dma_wait3A_841 = tpu.memref_slice %arg9[%dma_wait3A_832] : memref<4x!tpu.dma_semaphore, #tpu.memory_space<semaphore_mem>> -> memref<1x!tpu.dma_semaphore, #tpu.memory_space<semaphore_mem>>
        %dma_wait3A_842 = tpu.memref_squeeze %dma_wait3A_841 : memref<1x!tpu.dma_semaphore, #tpu.memory_space<semaphore_mem>> -> memref<!tpu.dma_semaphore, #tpu.memory_space<semaphore_mem>>
        %dma_wait3A_843 = arith.constant 0 : i32
        %dma_wait3A_844 = arith.constant 0 : i32
        %dma_wait3A_845 = tpu.memref_slice %arg4[%add3A_830, %dma_wait3A_843, %dma_wait3A_844] : memref<21504x128x64xf32, #tpu.memory_space<hbm>> -> memref<2x128x64xf32, #tpu.memory_space<hbm>>
        %dma_wait3A_846 = arith.constant 0 : i32
        %dma_wait3A_847 = arith.constant 0 : i32
        %dma_wait3A_848 = arith.constant 0 : i32
        %dma_wait3A_849 = tpu.memref_slice %arg6[%dma_wait3A_831, %dma_wait3A_846, %dma_wait3A_847, %dma_wait3A_848] : memref<4x2x128x64xf32, #tpu.memory_space<vmem>> -> memref<1x2x128x64xf32, #tpu.memory_space<vmem>>
        %dma_wait3A_850 = tpu.memref_squeeze %dma_wait3A_849 : memref<1x2x128x64xf32, #tpu.memory_space<vmem>> -> memref<2x128x64xf32, #tpu.memory_space<vmem>>
        tpu.wait_dma2 semaphore(%dma_wait3A_842 : memref<!tpu.dma_semaphore, #tpu.memory_space<semaphore_mem>>) src(%dma_wait3A_850 : memref<2x128x64xf32, #tpu.memory_space<vmem>>) dst(%dma_wait3A_845 : memref<2x128x64xf32, #tpu.memory_space<hbm>>)
      } else {
      }
      %dma_start3A_272 = arith.constant 1 : i32
      %dma_start3A_273 = arith.constant 0 : i32
      %dma_start3A_274 = arith.constant 1 : i32
      %dma_start3A_275 = arith.constant 0 : i32
      %dma_start3A_276 = arith.constant 1 : i32
      %dma_start3A_277 = arith.constant 0 : i32
      %dma_start3A_278 = arith.constant 0 : i32
      %dma_start3A_279 = arith.constant 0 : i32
      %dma_start3A_280 = tpu.memref_slice %arg6[%dma_start3A_274, %dma_start3A_277, %dma_start3A_278, %dma_start3A_279] : memref<4x2x128x64xf32, #tpu.memory_space<vmem>> -> memref<1x2x128x64xf32, #tpu.memory_space<vmem>>
      %dma_start3A_281 = tpu.memref_squeeze %dma_start3A_280 : memref<1x2x128x64xf32, #tpu.memory_space<vmem>> -> memref<2x128x64xf32, #tpu.memory_space<vmem>>
      %dma_start3A_282 = arith.constant 0 : i32
      %dma_start3A_283 = arith.constant 0 : i32
      %dma_start3A_284 = tpu.memref_slice %dma_start3A_281[%dma_start3A_275, %dma_start3A_282, %dma_start3A_283] : memref<2x128x64xf32, #tpu.memory_space<vmem>> -> memref<1x128x64xf32, #tpu.memory_space<vmem>>
      %dma_start3A_285 = tpu.memref_squeeze %dma_start3A_284 : memref<1x128x64xf32, #tpu.memory_space<vmem>> -> memref<128x64xf32, #tpu.memory_space<vmem>>
      %dma_start3A_286 = arith.constant 0 : i32
      %dma_start3A_287 = arith.constant 0 : i32
      %dma_start3A_288 = tpu.memref_slice %arg5[%dma_start3A_272, %dma_start3A_286, %dma_start3A_287] : memref<4x2x128xi32, #tpu.memory_space<vmem>> -> memref<1x2x128xi32, #tpu.memory_space<vmem>>
      %dma_start3A_289 = tpu.memref_squeeze %dma_start3A_288 : memref<1x2x128xi32, #tpu.memory_space<vmem>> -> memref<2x128xi32, #tpu.memory_space<vmem>>
      %dma_start3A_290 = arith.constant 0 : i32
      %dma_start3A_291 = tpu.memref_slice %dma_start3A_289[%dma_start3A_273, %dma_start3A_290] : memref<2x128xi32, #tpu.memory_space<vmem>> -> memref<1x128xi32, #tpu.memory_space<vmem>>
      %dma_start3A_292 = tpu.memref_squeeze %dma_start3A_291 : memref<1x128xi32, #tpu.memory_space<vmem>> -> memref<128xi32, #tpu.memory_space<vmem>>
      %dma_start3A_293 = arith.constant 0 : i32
      %dma_start3A_294 = arith.constant 0 : i32
      %dma_start3A_295 = tpu.memref_slice %arg3[%dma_start3A_293, %dma_start3A_294] : memref<100000x64xf32, #tpu.memory_space<hbm>> -> memref<100000x64xf32, #tpu.memory_space<hbm>>
      %dma_start3A_296 = tpu.memref_slice %arg8[%dma_start3A_276] : memref<4x!tpu.dma_semaphore, #tpu.memory_space<semaphore_mem>> -> memref<1x!tpu.dma_semaphore, #tpu.memory_space<semaphore_mem>>
      %dma_start3A_297 = tpu.memref_squeeze %dma_start3A_296 : memref<1x!tpu.dma_semaphore, #tpu.memory_space<semaphore_mem>> -> memref<!tpu.dma_semaphore, #tpu.memory_space<semaphore_mem>>
      tpu.enqueue_indirect_dma source(%dma_start3A_295 : memref<100000x64xf32, #tpu.memory_space<hbm>>) target(%dma_start3A_285 : memref<128x64xf32, #tpu.memory_space<vmem>>) offsets(%dma_start3A_292 : memref<128xi32, #tpu.memory_space<vmem>>) semaphore(%dma_start3A_297 : memref<!tpu.dma_semaphore, #tpu.memory_space<semaphore_mem>>)
      %dma_start3A_298 = arith.constant 1 : i32
      %dma_start3A_299 = arith.constant 1 : i32
      %dma_start3A_300 = arith.constant 1 : i32
      %dma_start3A_301 = arith.constant 1 : i32
      %dma_start3A_302 = arith.constant 1 : i32
      %dma_start3A_303 = arith.constant 0 : i32
      %dma_start3A_304 = arith.constant 0 : i32
      %dma_start3A_305 = arith.constant 0 : i32
      %dma_start3A_306 = tpu.memref_slice %arg6[%dma_start3A_300, %dma_start3A_303, %dma_start3A_304, %dma_start3A_305] : memref<4x2x128x64xf32, #tpu.memory_space<vmem>> -> memref<1x2x128x64xf32, #tpu.memory_space<vmem>>
      %dma_start3A_307 = tpu.memref_squeeze %dma_start3A_306 : memref<1x2x128x64xf32, #tpu.memory_space<vmem>> -> memref<2x128x64xf32, #tpu.memory_space<vmem>>
      %dma_start3A_308 = arith.constant 0 : i32
      %dma_start3A_309 = arith.constant 0 : i32
      %dma_start3A_310 = tpu.memref_slice %dma_start3A_307[%dma_start3A_301, %dma_start3A_308, %dma_start3A_309] : memref<2x128x64xf32, #tpu.memory_space<vmem>> -> memref<1x128x64xf32, #tpu.memory_space<vmem>>
      %dma_start3A_311 = tpu.memref_squeeze %dma_start3A_310 : memref<1x128x64xf32, #tpu.memory_space<vmem>> -> memref<128x64xf32, #tpu.memory_space<vmem>>
      %dma_start3A_312 = arith.constant 0 : i32
      %dma_start3A_313 = arith.constant 0 : i32
      %dma_start3A_314 = tpu.memref_slice %arg5[%dma_start3A_298, %dma_start3A_312, %dma_start3A_313] : memref<4x2x128xi32, #tpu.memory_space<vmem>> -> memref<1x2x128xi32, #tpu.memory_space<vmem>>
      %dma_start3A_315 = tpu.memref_squeeze %dma_start3A_314 : memref<1x2x128xi32, #tpu.memory_space<vmem>> -> memref<2x128xi32, #tpu.memory_space<vmem>>
      %dma_start3A_316 = arith.constant 0 : i32
      %dma_start3A_317 = tpu.memref_slice %dma_start3A_315[%dma_start3A_299, %dma_start3A_316] : memref<2x128xi32, #tpu.memory_space<vmem>> -> memref<1x128xi32, #tpu.memory_space<vmem>>
      %dma_start3A_318 = tpu.memref_squeeze %dma_start3A_317 : memref<1x128xi32, #tpu.memory_space<vmem>> -> memref<128xi32, #tpu.memory_space<vmem>>
      %dma_start3A_319 = arith.constant 0 : i32
      %dma_start3A_320 = arith.constant 0 : i32
      %dma_start3A_321 = tpu.memref_slice %arg3[%dma_start3A_319, %dma_start3A_320] : memref<100000x64xf32, #tpu.memory_space<hbm>> -> memref<100000x64xf32, #tpu.memory_space<hbm>>
      %dma_start3A_322 = tpu.memref_slice %arg8[%dma_start3A_302] : memref<4x!tpu.dma_semaphore, #tpu.memory_space<semaphore_mem>> -> memref<1x!tpu.dma_semaphore, #tpu.memory_space<semaphore_mem>>
      %dma_start3A_323 = tpu.memref_squeeze %dma_start3A_322 : memref<1x!tpu.dma_semaphore, #tpu.memory_space<semaphore_mem>> -> memref<!tpu.dma_semaphore, #tpu.memory_space<semaphore_mem>>
      tpu.enqueue_indirect_dma source(%dma_start3A_321 : memref<100000x64xf32, #tpu.memory_space<hbm>>) target(%dma_start3A_311 : memref<128x64xf32, #tpu.memory_space<vmem>>) offsets(%dma_start3A_318 : memref<128xi32, #tpu.memory_space<vmem>>) semaphore(%dma_start3A_323 : memref<!tpu.dma_semaphore, #tpu.memory_space<semaphore_mem>>)
      %mul3A_324 = arith.constant 4 : i32
      %mul3A_325 = arith.muli %mul3A_324, %scan3A_166 : i32
      %add3A_326 = arith.constant 2 : i32
      %add3A_327 = arith.addi %mul3A_325, %add3A_326 : i32
      %mul3A_328 = arith.constant 2 : i32
      %mul3A_329 = arith.muli %add3A_327, %mul3A_328 : i32
      %add3A_330 = arith.addi %mul3A_2, %mul3A_329 : i32
      %dma_wait3A_331 = arith.constant 2 : i32
      %dma_wait3A_332 = arith.constant 2 : i32
      %dma_wait3A_333 = arith.constant 0 : i32
      %dma_wait3A_334 = arith.constant 0 : i32
      %dma_wait3A_335 = tpu.memref_slice %arg5[%dma_wait3A_331, %dma_wait3A_333, %dma_wait3A_334] : memref<4x2x128xi32, #tpu.memory_space<vmem>> -> memref<1x2x128xi32, #tpu.memory_space<vmem>>
      %dma_wait3A_336 = tpu.memref_squeeze %dma_wait3A_335 : memref<1x2x128xi32, #tpu.memory_space<vmem>> -> memref<2x128xi32, #tpu.memory_space<vmem>>
      %dma_wait3A_337 = arith.constant 0 : i32
      %dma_wait3A_338 = tpu.memref_slice %arg2[%add3A_330, %dma_wait3A_337] : memref<21504x128xi32, #tpu.memory_space<hbm>> -> memref<2x128xi32, #tpu.memory_space<hbm>>
      %dma_wait3A_339 = tpu.memref_slice %arg7[%dma_wait3A_332] : memref<4x!tpu.dma_semaphore, #tpu.memory_space<semaphore_mem>> -> memref<1x!tpu.dma_semaphore, #tpu.memory_space<semaphore_mem>>
      %dma_wait3A_340 = tpu.memref_squeeze %dma_wait3A_339 : memref<1x!tpu.dma_semaphore, #tpu.memory_space<semaphore_mem>> -> memref<!tpu.dma_semaphore, #tpu.memory_space<semaphore_mem>>
      %dma_wait3A_341 = arith.constant 0 : i32
      %dma_wait3A_342 = arith.constant 0 : i32
      %dma_wait3A_343 = tpu.memref_slice %arg5[%dma_wait3A_331, %dma_wait3A_341, %dma_wait3A_342] : memref<4x2x128xi32, #tpu.memory_space<vmem>> -> memref<1x2x128xi32, #tpu.memory_space<vmem>>
      %dma_wait3A_344 = tpu.memref_squeeze %dma_wait3A_343 : memref<1x2x128xi32, #tpu.memory_space<vmem>> -> memref<2x128xi32, #tpu.memory_space<vmem>>
      %dma_wait3A_345 = arith.constant 0 : i32
      %dma_wait3A_346 = tpu.memref_slice %arg2[%add3A_330, %dma_wait3A_345] : memref<21504x128xi32, #tpu.memory_space<hbm>> -> memref<2x128xi32, #tpu.memory_space<hbm>>
      tpu.wait_dma2 semaphore(%dma_wait3A_340 : memref<!tpu.dma_semaphore, #tpu.memory_space<semaphore_mem>>) src(%dma_wait3A_346 : memref<2x128xi32, #tpu.memory_space<hbm>>) dst(%dma_wait3A_344 : memref<2x128xi32, #tpu.memory_space<vmem>>)
      %gt3A_347 = arith.constant 0 : i32
      %gt3A_348 = arith.cmpi sgt, %scan3A_166, %gt3A_347 : i32
      %convert_element_type3A_349 = arith.extui %gt3A_348 : i1 to i32
      %cond3A_350 = arith.constant 0 : i32
      %cond3A_351 = arith.cmpi ne, %convert_element_type3A_349, %cond3A_350 : i32
      scf.if %cond3A_351 {
        %sub3A = arith.constant 4 : i32
        %sub3A_827 = arith.subi %add3A_327, %sub3A : i32
        %mul3A_828 = arith.constant 2 : i32
        %mul3A_829 = arith.muli %sub3A_827, %mul3A_828 : i32
        %add3A_830 = arith.addi %mul3A_2, %mul3A_829 : i32
        %dma_wait3A_831 = arith.constant 2 : i32
        %dma_wait3A_832 = arith.constant 2 : i32
        %dma_wait3A_833 = arith.constant 0 : i32
        %dma_wait3A_834 = arith.constant 0 : i32
        %dma_wait3A_835 = arith.constant 0 : i32
        %dma_wait3A_836 = tpu.memref_slice %arg6[%dma_wait3A_831, %dma_wait3A_833, %dma_wait3A_834, %dma_wait3A_835] : memref<4x2x128x64xf32, #tpu.memory_space<vmem>> -> memref<1x2x128x64xf32, #tpu.memory_space<vmem>>
        %dma_wait3A_837 = tpu.memref_squeeze %dma_wait3A_836 : memref<1x2x128x64xf32, #tpu.memory_space<vmem>> -> memref<2x128x64xf32, #tpu.memory_space<vmem>>
        %dma_wait3A_838 = arith.constant 0 : i32
        %dma_wait3A_839 = arith.constant 0 : i32
        %dma_wait3A_840 = tpu.memref_slice %arg4[%add3A_830, %dma_wait3A_838, %dma_wait3A_839] : memref<21504x128x64xf32, #tpu.memory_space<hbm>> -> memref<2x128x64xf32, #tpu.memory_space<hbm>>
        %dma_wait3A_841 = tpu.memref_slice %arg9[%dma_wait3A_832] : memref<4x!tpu.dma_semaphore, #tpu.memory_space<semaphore_mem>> -> memref<1x!tpu.dma_semaphore, #tpu.memory_space<semaphore_mem>>
        %dma_wait3A_842 = tpu.memref_squeeze %dma_wait3A_841 : memref<1x!tpu.dma_semaphore, #tpu.memory_space<semaphore_mem>> -> memref<!tpu.dma_semaphore, #tpu.memory_space<semaphore_mem>>
        %dma_wait3A_843 = arith.constant 0 : i32
        %dma_wait3A_844 = arith.constant 0 : i32
        %dma_wait3A_845 = tpu.memref_slice %arg4[%add3A_830, %dma_wait3A_843, %dma_wait3A_844] : memref<21504x128x64xf32, #tpu.memory_space<hbm>> -> memref<2x128x64xf32, #tpu.memory_space<hbm>>
        %dma_wait3A_846 = arith.constant 0 : i32
        %dma_wait3A_847 = arith.constant 0 : i32
        %dma_wait3A_848 = arith.constant 0 : i32
        %dma_wait3A_849 = tpu.memref_slice %arg6[%dma_wait3A_831, %dma_wait3A_846, %dma_wait3A_847, %dma_wait3A_848] : memref<4x2x128x64xf32, #tpu.memory_space<vmem>> -> memref<1x2x128x64xf32, #tpu.memory_space<vmem>>
        %dma_wait3A_850 = tpu.memref_squeeze %dma_wait3A_849 : memref<1x2x128x64xf32, #tpu.memory_space<vmem>> -> memref<2x128x64xf32, #tpu.memory_space<vmem>>
        tpu.wait_dma2 semaphore(%dma_wait3A_842 : memref<!tpu.dma_semaphore, #tpu.memory_space<semaphore_mem>>) src(%dma_wait3A_850 : memref<2x128x64xf32, #tpu.memory_space<vmem>>) dst(%dma_wait3A_845 : memref<2x128x64xf32, #tpu.memory_space<hbm>>)
      } else {
      }
      %dma_start3A_352 = arith.constant 2 : i32
      %dma_start3A_353 = arith.constant 0 : i32
      %dma_start3A_354 = arith.constant 2 : i32
      %dma_start3A_355 = arith.constant 0 : i32
      %dma_start3A_356 = arith.constant 2 : i32
      %dma_start3A_357 = arith.constant 0 : i32
      %dma_start3A_358 = arith.constant 0 : i32
      %dma_start3A_359 = arith.constant 0 : i32
      %dma_start3A_360 = tpu.memref_slice %arg6[%dma_start3A_354, %dma_start3A_357, %dma_start3A_358, %dma_start3A_359] : memref<4x2x128x64xf32, #tpu.memory_space<vmem>> -> memref<1x2x128x64xf32, #tpu.memory_space<vmem>>
      %dma_start3A_361 = tpu.memref_squeeze %dma_start3A_360 : memref<1x2x128x64xf32, #tpu.memory_space<vmem>> -> memref<2x128x64xf32, #tpu.memory_space<vmem>>
      %dma_start3A_362 = arith.constant 0 : i32
      %dma_start3A_363 = arith.constant 0 : i32
      %dma_start3A_364 = tpu.memref_slice %dma_start3A_361[%dma_start3A_355, %dma_start3A_362, %dma_start3A_363] : memref<2x128x64xf32, #tpu.memory_space<vmem>> -> memref<1x128x64xf32, #tpu.memory_space<vmem>>
      %dma_start3A_365 = tpu.memref_squeeze %dma_start3A_364 : memref<1x128x64xf32, #tpu.memory_space<vmem>> -> memref<128x64xf32, #tpu.memory_space<vmem>>
      %dma_start3A_366 = arith.constant 0 : i32
      %dma_start3A_367 = arith.constant 0 : i32
      %dma_start3A_368 = tpu.memref_slice %arg5[%dma_start3A_352, %dma_start3A_366, %dma_start3A_367] : memref<4x2x128xi32, #tpu.memory_space<vmem>> -> memref<1x2x128xi32, #tpu.memory_space<vmem>>
      %dma_start3A_369 = tpu.memref_squeeze %dma_start3A_368 : memref<1x2x128xi32, #tpu.memory_space<vmem>> -> memref<2x128xi32, #tpu.memory_space<vmem>>
      %dma_start3A_370 = arith.constant 0 : i32
      %dma_start3A_371 = tpu.memref_slice %dma_start3A_369[%dma_start3A_353, %dma_start3A_370] : memref<2x128xi32, #tpu.memory_space<vmem>> -> memref<1x128xi32, #tpu.memory_space<vmem>>
      %dma_start3A_372 = tpu.memref_squeeze %dma_start3A_371 : memref<1x128xi32, #tpu.memory_space<vmem>> -> memref<128xi32, #tpu.memory_space<vmem>>
      %dma_start3A_373 = arith.constant 0 : i32
      %dma_start3A_374 = arith.constant 0 : i32
      %dma_start3A_375 = tpu.memref_slice %arg3[%dma_start3A_373, %dma_start3A_374] : memref<100000x64xf32, #tpu.memory_space<hbm>> -> memref<100000x64xf32, #tpu.memory_space<hbm>>
      %dma_start3A_376 = tpu.memref_slice %arg8[%dma_start3A_356] : memref<4x!tpu.dma_semaphore, #tpu.memory_space<semaphore_mem>> -> memref<1x!tpu.dma_semaphore, #tpu.memory_space<semaphore_mem>>
      %dma_start3A_377 = tpu.memref_squeeze %dma_start3A_376 : memref<1x!tpu.dma_semaphore, #tpu.memory_space<semaphore_mem>> -> memref<!tpu.dma_semaphore, #tpu.memory_space<semaphore_mem>>
      tpu.enqueue_indirect_dma source(%dma_start3A_375 : memref<100000x64xf32, #tpu.memory_space<hbm>>) target(%dma_start3A_365 : memref<128x64xf32, #tpu.memory_space<vmem>>) offsets(%dma_start3A_372 : memref<128xi32, #tpu.memory_space<vmem>>) semaphore(%dma_start3A_377 : memref<!tpu.dma_semaphore, #tpu.memory_space<semaphore_mem>>)
      %dma_start3A_378 = arith.constant 2 : i32
      %dma_start3A_379 = arith.constant 1 : i32
      %dma_start3A_380 = arith.constant 2 : i32
      %dma_start3A_381 = arith.constant 1 : i32
      %dma_start3A_382 = arith.constant 2 : i32
      %dma_start3A_383 = arith.constant 0 : i32
      %dma_start3A_384 = arith.constant 0 : i32
      %dma_start3A_385 = arith.constant 0 : i32
      %dma_start3A_386 = tpu.memref_slice %arg6[%dma_start3A_380, %dma_start3A_383, %dma_start3A_384, %dma_start3A_385] : memref<4x2x128x64xf32, #tpu.memory_space<vmem>> -> memref<1x2x128x64xf32, #tpu.memory_space<vmem>>
      %dma_start3A_387 = tpu.memref_squeeze %dma_start3A_386 : memref<1x2x128x64xf32, #tpu.memory_space<vmem>> -> memref<2x128x64xf32, #tpu.memory_space<vmem>>
      %dma_start3A_388 = arith.constant 0 : i32
      %dma_start3A_389 = arith.constant 0 : i32
      %dma_start3A_390 = tpu.memref_slice %dma_start3A_387[%dma_start3A_381, %dma_start3A_388, %dma_start3A_389] : memref<2x128x64xf32, #tpu.memory_space<vmem>> -> memref<1x128x64xf32, #tpu.memory_space<vmem>>
      %dma_start3A_391 = tpu.memref_squeeze %dma_start3A_390 : memref<1x128x64xf32, #tpu.memory_space<vmem>> -> memref<128x64xf32, #tpu.memory_space<vmem>>
      %dma_start3A_392 = arith.constant 0 : i32
      %dma_start3A_393 = arith.constant 0 : i32
      %dma_start3A_394 = tpu.memref_slice %arg5[%dma_start3A_378, %dma_start3A_392, %dma_start3A_393] : memref<4x2x128xi32, #tpu.memory_space<vmem>> -> memref<1x2x128xi32, #tpu.memory_space<vmem>>
      %dma_start3A_395 = tpu.memref_squeeze %dma_start3A_394 : memref<1x2x128xi32, #tpu.memory_space<vmem>> -> memref<2x128xi32, #tpu.memory_space<vmem>>
      %dma_start3A_396 = arith.constant 0 : i32
      %dma_start3A_397 = tpu.memref_slice %dma_start3A_395[%dma_start3A_379, %dma_start3A_396] : memref<2x128xi32, #tpu.memory_space<vmem>> -> memref<1x128xi32, #tpu.memory_space<vmem>>
      %dma_start3A_398 = tpu.memref_squeeze %dma_start3A_397 : memref<1x128xi32, #tpu.memory_space<vmem>> -> memref<128xi32, #tpu.memory_space<vmem>>
      %dma_start3A_399 = arith.constant 0 : i32
      %dma_start3A_400 = arith.constant 0 : i32
      %dma_start3A_401 = tpu.memref_slice %arg3[%dma_start3A_399, %dma_start3A_400] : memref<100000x64xf32, #tpu.memory_space<hbm>> -> memref<100000x64xf32, #tpu.memory_space<hbm>>
      %dma_start3A_402 = tpu.memref_slice %arg8[%dma_start3A_382] : memref<4x!tpu.dma_semaphore, #tpu.memory_space<semaphore_mem>> -> memref<1x!tpu.dma_semaphore, #tpu.memory_space<semaphore_mem>>
      %dma_start3A_403 = tpu.memref_squeeze %dma_start3A_402 : memref<1x!tpu.dma_semaphore, #tpu.memory_space<semaphore_mem>> -> memref<!tpu.dma_semaphore, #tpu.memory_space<semaphore_mem>>
      tpu.enqueue_indirect_dma source(%dma_start3A_401 : memref<100000x64xf32, #tpu.memory_space<hbm>>) target(%dma_start3A_391 : memref<128x64xf32, #tpu.memory_space<vmem>>) offsets(%dma_start3A_398 : memref<128xi32, #tpu.memory_space<vmem>>) semaphore(%dma_start3A_403 : memref<!tpu.dma_semaphore, #tpu.memory_space<semaphore_mem>>)
      %mul3A_404 = arith.constant 4 : i32
      %mul3A_405 = arith.muli %mul3A_404, %scan3A_166 : i32
      %add3A_406 = arith.constant 3 : i32
      %add3A_407 = arith.addi %mul3A_405, %add3A_406 : i32
      %mul3A_408 = arith.constant 2 : i32
      %mul3A_409 = arith.muli %add3A_407, %mul3A_408 : i32
      %add3A_410 = arith.addi %mul3A_2, %mul3A_409 : i32
      %dma_wait3A_411 = arith.constant 3 : i32
      %dma_wait3A_412 = arith.constant 3 : i32
      %dma_wait3A_413 = arith.constant 0 : i32
      %dma_wait3A_414 = arith.constant 0 : i32
      %dma_wait3A_415 = tpu.memref_slice %arg5[%dma_wait3A_411, %dma_wait3A_413, %dma_wait3A_414] : memref<4x2x128xi32, #tpu.memory_space<vmem>> -> memref<1x2x128xi32, #tpu.memory_space<vmem>>
      %dma_wait3A_416 = tpu.memref_squeeze %dma_wait3A_415 : memref<1x2x128xi32, #tpu.memory_space<vmem>> -> memref<2x128xi32, #tpu.memory_space<vmem>>
      %dma_wait3A_417 = arith.constant 0 : i32
      %dma_wait3A_418 = tpu.memref_slice %arg2[%add3A_410, %dma_wait3A_417] : memref<21504x128xi32, #tpu.memory_space<hbm>> -> memref<2x128xi32, #tpu.memory_space<hbm>>
      %dma_wait3A_419 = tpu.memref_slice %arg7[%dma_wait3A_412] : memref<4x!tpu.dma_semaphore, #tpu.memory_space<semaphore_mem>> -> memref<1x!tpu.dma_semaphore, #tpu.memory_space<semaphore_mem>>
      %dma_wait3A_420 = tpu.memref_squeeze %dma_wait3A_419 : memref<1x!tpu.dma_semaphore, #tpu.memory_space<semaphore_mem>> -> memref<!tpu.dma_semaphore, #tpu.memory_space<semaphore_mem>>
      %dma_wait3A_421 = arith.constant 0 : i32
      %dma_wait3A_422 = arith.constant 0 : i32
      %dma_wait3A_423 = tpu.memref_slice %arg5[%dma_wait3A_411, %dma_wait3A_421, %dma_wait3A_422] : memref<4x2x128xi32, #tpu.memory_space<vmem>> -> memref<1x2x128xi32, #tpu.memory_space<vmem>>
      %dma_wait3A_424 = tpu.memref_squeeze %dma_wait3A_423 : memref<1x2x128xi32, #tpu.memory_space<vmem>> -> memref<2x128xi32, #tpu.memory_space<vmem>>
      %dma_wait3A_425 = arith.constant 0 : i32
      %dma_wait3A_426 = tpu.memref_slice %arg2[%add3A_410, %dma_wait3A_425] : memref<21504x128xi32, #tpu.memory_space<hbm>> -> memref<2x128xi32, #tpu.memory_space<hbm>>
      tpu.wait_dma2 semaphore(%dma_wait3A_420 : memref<!tpu.dma_semaphore, #tpu.memory_space<semaphore_mem>>) src(%dma_wait3A_426 : memref<2x128xi32, #tpu.memory_space<hbm>>) dst(%dma_wait3A_424 : memref<2x128xi32, #tpu.memory_space<vmem>>)
      %gt3A_427 = arith.constant 0 : i32
      %gt3A_428 = arith.cmpi sgt, %scan3A_166, %gt3A_427 : i32
      %convert_element_type3A_429 = arith.extui %gt3A_428 : i1 to i32
      %cond3A_430 = arith.constant 0 : i32
      %cond3A_431 = arith.cmpi ne, %convert_element_type3A_429, %cond3A_430 : i32
      scf.if %cond3A_431 {
        %sub3A = arith.constant 4 : i32
        %sub3A_827 = arith.subi %add3A_407, %sub3A : i32
        %mul3A_828 = arith.constant 2 : i32
        %mul3A_829 = arith.muli %sub3A_827, %mul3A_828 : i32
        %add3A_830 = arith.addi %mul3A_2, %mul3A_829 : i32
        %dma_wait3A_831 = arith.constant 3 : i32
        %dma_wait3A_832 = arith.constant 3 : i32
        %dma_wait3A_833 = arith.constant 0 : i32
        %dma_wait3A_834 = arith.constant 0 : i32
        %dma_wait3A_835 = arith.constant 0 : i32
        %dma_wait3A_836 = tpu.memref_slice %arg6[%dma_wait3A_831, %dma_wait3A_833, %dma_wait3A_834, %dma_wait3A_835] : memref<4x2x128x64xf32, #tpu.memory_space<vmem>> -> memref<1x2x128x64xf32, #tpu.memory_space<vmem>>
        %dma_wait3A_837 = tpu.memref_squeeze %dma_wait3A_836 : memref<1x2x128x64xf32, #tpu.memory_space<vmem>> -> memref<2x128x64xf32, #tpu.memory_space<vmem>>
        %dma_wait3A_838 = arith.constant 0 : i32
        %dma_wait3A_839 = arith.constant 0 : i32
        %dma_wait3A_840 = tpu.memref_slice %arg4[%add3A_830, %dma_wait3A_838, %dma_wait3A_839] : memref<21504x128x64xf32, #tpu.memory_space<hbm>> -> memref<2x128x64xf32, #tpu.memory_space<hbm>>
        %dma_wait3A_841 = tpu.memref_slice %arg9[%dma_wait3A_832] : memref<4x!tpu.dma_semaphore, #tpu.memory_space<semaphore_mem>> -> memref<1x!tpu.dma_semaphore, #tpu.memory_space<semaphore_mem>>
        %dma_wait3A_842 = tpu.memref_squeeze %dma_wait3A_841 : memref<1x!tpu.dma_semaphore, #tpu.memory_space<semaphore_mem>> -> memref<!tpu.dma_semaphore, #tpu.memory_space<semaphore_mem>>
        %dma_wait3A_843 = arith.constant 0 : i32
        %dma_wait3A_844 = arith.constant 0 : i32
        %dma_wait3A_845 = tpu.memref_slice %arg4[%add3A_830, %dma_wait3A_843, %dma_wait3A_844] : memref<21504x128x64xf32, #tpu.memory_space<hbm>> -> memref<2x128x64xf32, #tpu.memory_space<hbm>>
        %dma_wait3A_846 = arith.constant 0 : i32
        %dma_wait3A_847 = arith.constant 0 : i32
        %dma_wait3A_848 = arith.constant 0 : i32
        %dma_wait3A_849 = tpu.memref_slice %arg6[%dma_wait3A_831, %dma_wait3A_846, %dma_wait3A_847, %dma_wait3A_848] : memref<4x2x128x64xf32, #tpu.memory_space<vmem>> -> memref<1x2x128x64xf32, #tpu.memory_space<vmem>>
        %dma_wait3A_850 = tpu.memref_squeeze %dma_wait3A_849 : memref<1x2x128x64xf32, #tpu.memory_space<vmem>> -> memref<2x128x64xf32, #tpu.memory_space<vmem>>
        tpu.wait_dma2 semaphore(%dma_wait3A_842 : memref<!tpu.dma_semaphore, #tpu.memory_space<semaphore_mem>>) src(%dma_wait3A_850 : memref<2x128x64xf32, #tpu.memory_space<vmem>>) dst(%dma_wait3A_845 : memref<2x128x64xf32, #tpu.memory_space<hbm>>)
      } else {
      }
      %dma_start3A_432 = arith.constant 3 : i32
      %dma_start3A_433 = arith.constant 0 : i32
      %dma_start3A_434 = arith.constant 3 : i32
      %dma_start3A_435 = arith.constant 0 : i32
      %dma_start3A_436 = arith.constant 3 : i32
      %dma_start3A_437 = arith.constant 0 : i32
      %dma_start3A_438 = arith.constant 0 : i32
      %dma_start3A_439 = arith.constant 0 : i32
      %dma_start3A_440 = tpu.memref_slice %arg6[%dma_start3A_434, %dma_start3A_437, %dma_start3A_438, %dma_start3A_439] : memref<4x2x128x64xf32, #tpu.memory_space<vmem>> -> memref<1x2x128x64xf32, #tpu.memory_space<vmem>>
      %dma_start3A_441 = tpu.memref_squeeze %dma_start3A_440 : memref<1x2x128x64xf32, #tpu.memory_space<vmem>> -> memref<2x128x64xf32, #tpu.memory_space<vmem>>
      %dma_start3A_442 = arith.constant 0 : i32
      %dma_start3A_443 = arith.constant 0 : i32
      %dma_start3A_444 = tpu.memref_slice %dma_start3A_441[%dma_start3A_435, %dma_start3A_442, %dma_start3A_443] : memref<2x128x64xf32, #tpu.memory_space<vmem>> -> memref<1x128x64xf32, #tpu.memory_space<vmem>>
      %dma_start3A_445 = tpu.memref_squeeze %dma_start3A_444 : memref<1x128x64xf32, #tpu.memory_space<vmem>> -> memref<128x64xf32, #tpu.memory_space<vmem>>
      %dma_start3A_446 = arith.constant 0 : i32
      %dma_start3A_447 = arith.constant 0 : i32
      %dma_start3A_448 = tpu.memref_slice %arg5[%dma_start3A_432, %dma_start3A_446, %dma_start3A_447] : memref<4x2x128xi32, #tpu.memory_space<vmem>> -> memref<1x2x128xi32, #tpu.memory_space<vmem>>
      %dma_start3A_449 = tpu.memref_squeeze %dma_start3A_448 : memref<1x2x128xi32, #tpu.memory_space<vmem>> -> memref<2x128xi32, #tpu.memory_space<vmem>>
      %dma_start3A_450 = arith.constant 0 : i32
      %dma_start3A_451 = tpu.memref_slice %dma_start3A_449[%dma_start3A_433, %dma_start3A_450] : memref<2x128xi32, #tpu.memory_space<vmem>> -> memref<1x128xi32, #tpu.memory_space<vmem>>
      %dma_start3A_452 = tpu.memref_squeeze %dma_start3A_451 : memref<1x128xi32, #tpu.memory_space<vmem>> -> memref<128xi32, #tpu.memory_space<vmem>>
      %dma_start3A_453 = arith.constant 0 : i32
      %dma_start3A_454 = arith.constant 0 : i32
      %dma_start3A_455 = tpu.memref_slice %arg3[%dma_start3A_453, %dma_start3A_454] : memref<100000x64xf32, #tpu.memory_space<hbm>> -> memref<100000x64xf32, #tpu.memory_space<hbm>>
      %dma_start3A_456 = tpu.memref_slice %arg8[%dma_start3A_436] : memref<4x!tpu.dma_semaphore, #tpu.memory_space<semaphore_mem>> -> memref<1x!tpu.dma_semaphore, #tpu.memory_space<semaphore_mem>>
      %dma_start3A_457 = tpu.memref_squeeze %dma_start3A_456 : memref<1x!tpu.dma_semaphore, #tpu.memory_space<semaphore_mem>> -> memref<!tpu.dma_semaphore, #tpu.memory_space<semaphore_mem>>
      tpu.enqueue_indirect_dma source(%dma_start3A_455 : memref<100000x64xf32, #tpu.memory_space<hbm>>) target(%dma_start3A_445 : memref<128x64xf32, #tpu.memory_space<vmem>>) offsets(%dma_start3A_452 : memref<128xi32, #tpu.memory_space<vmem>>) semaphore(%dma_start3A_457 : memref<!tpu.dma_semaphore, #tpu.memory_space<semaphore_mem>>)
      %dma_start3A_458 = arith.constant 3 : i32
      %dma_start3A_459 = arith.constant 1 : i32
      %dma_start3A_460 = arith.constant 3 : i32
      %dma_start3A_461 = arith.constant 1 : i32
      %dma_start3A_462 = arith.constant 3 : i32
      %dma_start3A_463 = arith.constant 0 : i32
      %dma_start3A_464 = arith.constant 0 : i32
      %dma_start3A_465 = arith.constant 0 : i32
      %dma_start3A_466 = tpu.memref_slice %arg6[%dma_start3A_460, %dma_start3A_463, %dma_start3A_464, %dma_start3A_465] : memref<4x2x128x64xf32, #tpu.memory_space<vmem>> -> memref<1x2x128x64xf32, #tpu.memory_space<vmem>>
      %dma_start3A_467 = tpu.memref_squeeze %dma_start3A_466 : memref<1x2x128x64xf32, #tpu.memory_space<vmem>> -> memref<2x128x64xf32, #tpu.memory_space<vmem>>
      %dma_start3A_468 = arith.constant 0 : i32
      %dma_start3A_469 = arith.constant 0 : i32
      %dma_start3A_470 = tpu.memref_slice %dma_start3A_467[%dma_start3A_461, %dma_start3A_468, %dma_start3A_469] : memref<2x128x64xf32, #tpu.memory_space<vmem>> -> memref<1x128x64xf32, #tpu.memory_space<vmem>>
      %dma_start3A_471 = tpu.memref_squeeze %dma_start3A_470 : memref<1x128x64xf32, #tpu.memory_space<vmem>> -> memref<128x64xf32, #tpu.memory_space<vmem>>
      %dma_start3A_472 = arith.constant 0 : i32
      %dma_start3A_473 = arith.constant 0 : i32
      %dma_start3A_474 = tpu.memref_slice %arg5[%dma_start3A_458, %dma_start3A_472, %dma_start3A_473] : memref<4x2x128xi32, #tpu.memory_space<vmem>> -> memref<1x2x128xi32, #tpu.memory_space<vmem>>
      %dma_start3A_475 = tpu.memref_squeeze %dma_start3A_474 : memref<1x2x128xi32, #tpu.memory_space<vmem>> -> memref<2x128xi32, #tpu.memory_space<vmem>>
      %dma_start3A_476 = arith.constant 0 : i32
      %dma_start3A_477 = tpu.memref_slice %dma_start3A_475[%dma_start3A_459, %dma_start3A_476] : memref<2x128xi32, #tpu.memory_space<vmem>> -> memref<1x128xi32, #tpu.memory_space<vmem>>
      %dma_start3A_478 = tpu.memref_squeeze %dma_start3A_477 : memref<1x128xi32, #tpu.memory_space<vmem>> -> memref<128xi32, #tpu.memory_space<vmem>>
      %dma_start3A_479 = arith.constant 0 : i32
      %dma_start3A_480 = arith.constant 0 : i32
      %dma_start3A_481 = tpu.memref_slice %arg3[%dma_start3A_479, %dma_start3A_480] : memref<100000x64xf32, #tpu.memory_space<hbm>> -> memref<100000x64xf32, #tpu.memory_space<hbm>>
      %dma_start3A_482 = tpu.memref_slice %arg8[%dma_start3A_462] : memref<4x!tpu.dma_semaphore, #tpu.memory_space<semaphore_mem>> -> memref<1x!tpu.dma_semaphore, #tpu.memory_space<semaphore_mem>>
      %dma_start3A_483 = tpu.memref_squeeze %dma_start3A_482 : memref<1x!tpu.dma_semaphore, #tpu.memory_space<semaphore_mem>> -> memref<!tpu.dma_semaphore, #tpu.memory_space<semaphore_mem>>
      tpu.enqueue_indirect_dma source(%dma_start3A_481 : memref<100000x64xf32, #tpu.memory_space<hbm>>) target(%dma_start3A_471 : memref<128x64xf32, #tpu.memory_space<vmem>>) offsets(%dma_start3A_478 : memref<128xi32, #tpu.memory_space<vmem>>) semaphore(%dma_start3A_483 : memref<!tpu.dma_semaphore, #tpu.memory_space<semaphore_mem>>)
      %mul3A_484 = arith.constant 4 : i32
      %mul3A_485 = arith.muli %mul3A_484, %scan3A_166 : i32
      %add3A_486 = arith.constant 0 : i32
      %add3A_487 = arith.addi %mul3A_485, %add3A_486 : i32
      %dma_wait3A_488 = arith.constant 0 : i32
      %dma_wait3A_489 = arith.constant 0 : i32
      %dma_wait3A_490 = arith.constant 0 : i32
      %dma_wait3A_491 = arith.constant 0 : i32
      %dma_wait3A_492 = arith.constant 0 : i32
      %dma_wait3A_493 = arith.constant 0 : i32
      %dma_wait3A_494 = arith.constant 0 : i32
      %dma_wait3A_495 = arith.constant 0 : i32
      %dma_wait3A_496 = tpu.memref_slice %arg6[%dma_wait3A_490, %dma_wait3A_493, %dma_wait3A_494, %dma_wait3A_495] : memref<4x2x128x64xf32, #tpu.memory_space<vmem>> -> memref<1x2x128x64xf32, #tpu.memory_space<vmem>>
      %dma_wait3A_497 = tpu.memref_squeeze %dma_wait3A_496 : memref<1x2x128x64xf32, #tpu.memory_space<vmem>> -> memref<2x128x64xf32, #tpu.memory_space<vmem>>
      %dma_wait3A_498 = arith.constant 0 : i32
      %dma_wait3A_499 = arith.constant 0 : i32
      %dma_wait3A_500 = tpu.memref_slice %dma_wait3A_497[%dma_wait3A_491, %dma_wait3A_498, %dma_wait3A_499] : memref<2x128x64xf32, #tpu.memory_space<vmem>> -> memref<1x128x64xf32, #tpu.memory_space<vmem>>
      %dma_wait3A_501 = tpu.memref_squeeze %dma_wait3A_500 : memref<1x128x64xf32, #tpu.memory_space<vmem>> -> memref<128x64xf32, #tpu.memory_space<vmem>>
      %dma_wait3A_502 = arith.constant 0 : i32
      %dma_wait3A_503 = arith.constant 0 : i32
      %dma_wait3A_504 = tpu.memref_slice %arg5[%dma_wait3A_488, %dma_wait3A_502, %dma_wait3A_503] : memref<4x2x128xi32, #tpu.memory_space<vmem>> -> memref<1x2x128xi32, #tpu.memory_space<vmem>>
      %dma_wait3A_505 = tpu.memref_squeeze %dma_wait3A_504 : memref<1x2x128xi32, #tpu.memory_space<vmem>> -> memref<2x128xi32, #tpu.memory_space<vmem>>
      %dma_wait3A_506 = arith.constant 0 : i32
      %dma_wait3A_507 = tpu.memref_slice %dma_wait3A_505[%dma_wait3A_489, %dma_wait3A_506] : memref<2x128xi32, #tpu.memory_space<vmem>> -> memref<1x128xi32, #tpu.memory_space<vmem>>
      %dma_wait3A_508 = tpu.memref_squeeze %dma_wait3A_507 : memref<1x128xi32, #tpu.memory_space<vmem>> -> memref<128xi32, #tpu.memory_space<vmem>>
      %dma_wait3A_509 = arith.constant 0 : i32
      %dma_wait3A_510 = arith.constant 0 : i32
      %dma_wait3A_511 = tpu.memref_slice %arg3[%dma_wait3A_509, %dma_wait3A_510] : memref<100000x64xf32, #tpu.memory_space<hbm>> -> memref<100000x64xf32, #tpu.memory_space<hbm>>
      %dma_wait3A_512 = tpu.memref_slice %arg8[%dma_wait3A_492] : memref<4x!tpu.dma_semaphore, #tpu.memory_space<semaphore_mem>> -> memref<1x!tpu.dma_semaphore, #tpu.memory_space<semaphore_mem>>
      %dma_wait3A_513 = tpu.memref_squeeze %dma_wait3A_512 : memref<1x!tpu.dma_semaphore, #tpu.memory_space<semaphore_mem>> -> memref<!tpu.dma_semaphore, #tpu.memory_space<semaphore_mem>>
      tpu.wait_indirect_dma semaphore(%dma_wait3A_513 : memref<!tpu.dma_semaphore, #tpu.memory_space<semaphore_mem>>) src(%dma_wait3A_511 : memref<100000x64xf32, #tpu.memory_space<hbm>>) dst(%dma_wait3A_501 : memref<128x64xf32, #tpu.memory_space<vmem>>)
      %dma_wait3A_514 = arith.constant 0 : i32
      %dma_wait3A_515 = arith.constant 1 : i32
      %dma_wait3A_516 = arith.constant 0 : i32
      %dma_wait3A_517 = arith.constant 1 : i32
      %dma_wait3A_518 = arith.constant 0 : i32
      %dma_wait3A_519 = arith.constant 0 : i32
      %dma_wait3A_520 = arith.constant 0 : i32
      %dma_wait3A_521 = arith.constant 0 : i32
      %dma_wait3A_522 = tpu.memref_slice %arg6[%dma_wait3A_516, %dma_wait3A_519, %dma_wait3A_520, %dma_wait3A_521] : memref<4x2x128x64xf32, #tpu.memory_space<vmem>> -> memref<1x2x128x64xf32, #tpu.memory_space<vmem>>
      %dma_wait3A_523 = tpu.memref_squeeze %dma_wait3A_522 : memref<1x2x128x64xf32, #tpu.memory_space<vmem>> -> memref<2x128x64xf32, #tpu.memory_space<vmem>>
      %dma_wait3A_524 = arith.constant 0 : i32
      %dma_wait3A_525 = arith.constant 0 : i32
      %dma_wait3A_526 = tpu.memref_slice %dma_wait3A_523[%dma_wait3A_517, %dma_wait3A_524, %dma_wait3A_525] : memref<2x128x64xf32, #tpu.memory_space<vmem>> -> memref<1x128x64xf32, #tpu.memory_space<vmem>>
      %dma_wait3A_527 = tpu.memref_squeeze %dma_wait3A_526 : memref<1x128x64xf32, #tpu.memory_space<vmem>> -> memref<128x64xf32, #tpu.memory_space<vmem>>
      %dma_wait3A_528 = arith.constant 0 : i32
      %dma_wait3A_529 = arith.constant 0 : i32
      %dma_wait3A_530 = tpu.memref_slice %arg5[%dma_wait3A_514, %dma_wait3A_528, %dma_wait3A_529] : memref<4x2x128xi32, #tpu.memory_space<vmem>> -> memref<1x2x128xi32, #tpu.memory_space<vmem>>
      %dma_wait3A_531 = tpu.memref_squeeze %dma_wait3A_530 : memref<1x2x128xi32, #tpu.memory_space<vmem>> -> memref<2x128xi32, #tpu.memory_space<vmem>>
      %dma_wait3A_532 = arith.constant 0 : i32
      %dma_wait3A_533 = tpu.memref_slice %dma_wait3A_531[%dma_wait3A_515, %dma_wait3A_532] : memref<2x128xi32, #tpu.memory_space<vmem>> -> memref<1x128xi32, #tpu.memory_space<vmem>>
      %dma_wait3A_534 = tpu.memref_squeeze %dma_wait3A_533 : memref<1x128xi32, #tpu.memory_space<vmem>> -> memref<128xi32, #tpu.memory_space<vmem>>
      %dma_wait3A_535 = arith.constant 0 : i32
      %dma_wait3A_536 = arith.constant 0 : i32
      %dma_wait3A_537 = tpu.memref_slice %arg3[%dma_wait3A_535, %dma_wait3A_536] : memref<100000x64xf32, #tpu.memory_space<hbm>> -> memref<100000x64xf32, #tpu.memory_space<hbm>>
      %dma_wait3A_538 = tpu.memref_slice %arg8[%dma_wait3A_518] : memref<4x!tpu.dma_semaphore, #tpu.memory_space<semaphore_mem>> -> memref<1x!tpu.dma_semaphore, #tpu.memory_space<semaphore_mem>>
      %dma_wait3A_539 = tpu.memref_squeeze %dma_wait3A_538 : memref<1x!tpu.dma_semaphore, #tpu.memory_space<semaphore_mem>> -> memref<!tpu.dma_semaphore, #tpu.memory_space<semaphore_mem>>
      tpu.wait_indirect_dma semaphore(%dma_wait3A_539 : memref<!tpu.dma_semaphore, #tpu.memory_space<semaphore_mem>>) src(%dma_wait3A_537 : memref<100000x64xf32, #tpu.memory_space<hbm>>) dst(%dma_wait3A_527 : memref<128x64xf32, #tpu.memory_space<vmem>>)
      %mul3A_540 = arith.constant 2 : i32
      %mul3A_541 = arith.muli %add3A_487, %mul3A_540 : i32
      %add3A_542 = arith.addi %mul3A_2, %mul3A_541 : i32
      %dma_start3A_543 = arith.constant 0 : i32
      %dma_start3A_544 = arith.constant 0 : i32
      %dma_start3A_545 = arith.constant 0 : i32
      %dma_start3A_546 = arith.constant 0 : i32
      %dma_start3A_547 = arith.constant 0 : i32
      %dma_start3A_548 = tpu.memref_slice %arg6[%dma_start3A_543, %dma_start3A_545, %dma_start3A_546, %dma_start3A_547] : memref<4x2x128x64xf32, #tpu.memory_space<vmem>> -> memref<1x2x128x64xf32, #tpu.memory_space<vmem>>
      %dma_start3A_549 = tpu.memref_squeeze %dma_start3A_548 : memref<1x2x128x64xf32, #tpu.memory_space<vmem>> -> memref<2x128x64xf32, #tpu.memory_space<vmem>>
      %dma_start3A_550 = arith.constant 0 : i32
      %dma_start3A_551 = arith.constant 0 : i32
      %dma_start3A_552 = tpu.memref_slice %arg4[%add3A_542, %dma_start3A_550, %dma_start3A_551] : memref<21504x128x64xf32, #tpu.memory_space<hbm>> -> memref<2x128x64xf32, #tpu.memory_space<hbm>>
      %dma_start3A_553 = tpu.memref_slice %arg9[%dma_start3A_544] : memref<4x!tpu.dma_semaphore, #tpu.memory_space<semaphore_mem>> -> memref<1x!tpu.dma_semaphore, #tpu.memory_space<semaphore_mem>>
      %dma_start3A_554 = tpu.memref_squeeze %dma_start3A_553 : memref<1x!tpu.dma_semaphore, #tpu.memory_space<semaphore_mem>> -> memref<!tpu.dma_semaphore, #tpu.memory_space<semaphore_mem>>
      %dma_start3A_555 = arith.constant 0 : i32
      %dma_start3A_556 = arith.constant 0 : i32
      %dma_start3A_557 = tpu.memref_slice %arg4[%add3A_542, %dma_start3A_555, %dma_start3A_556] : memref<21504x128x64xf32, #tpu.memory_space<hbm>> -> memref<2x128x64xf32, #tpu.memory_space<hbm>>
      %dma_start3A_558 = arith.constant 0 : i32
      %dma_start3A_559 = arith.constant 0 : i32
      %dma_start3A_560 = arith.constant 0 : i32
      %dma_start3A_561 = tpu.memref_slice %arg6[%dma_start3A_543, %dma_start3A_558, %dma_start3A_559, %dma_start3A_560] : memref<4x2x128x64xf32, #tpu.memory_space<vmem>> -> memref<1x2x128x64xf32, #tpu.memory_space<vmem>>
      %dma_start3A_562 = tpu.memref_squeeze %dma_start3A_561 : memref<1x2x128x64xf32, #tpu.memory_space<vmem>> -> memref<2x128x64xf32, #tpu.memory_space<vmem>>
      tpu.enqueue_dma source(%dma_start3A_562 : memref<2x128x64xf32, #tpu.memory_space<vmem>>) target(%dma_start3A_557 : memref<2x128x64xf32, #tpu.memory_space<hbm>>) target_semaphore(%dma_start3A_554 : memref<!tpu.dma_semaphore, #tpu.memory_space<semaphore_mem>>)
      %add3A_563 = arith.constant 4 : i32
      %add3A_564 = arith.addi %add3A_487, %add3A_563 : i32
      %lt3A = arith.constant 336 : i32
      %lt3A_565 = arith.cmpi slt, %add3A_564, %lt3A : i32
      %convert_element_type3A_566 = arith.extui %lt3A_565 : i1 to i32
      %cond3A_567 = arith.constant 0 : i32
      %cond3A_568 = arith.cmpi ne, %convert_element_type3A_566, %cond3A_567 : i32
      scf.if %cond3A_568 {
        %add3A_827 = arith.constant 4 : i32
        %add3A_828 = arith.addi %add3A_487, %add3A_827 : i32
        %mul3A_829 = arith.constant 2 : i32
        %mul3A_830 = arith.muli %add3A_828, %mul3A_829 : i32
        %add3A_831 = arith.addi %mul3A_2, %mul3A_830 : i32
        %dma_start3A_832 = arith.constant 0 : i32
        %dma_start3A_833 = arith.constant 0 : i32
        %dma_start3A_834 = arith.constant 0 : i32
        %dma_start3A_835 = arith.constant 0 : i32
        %dma_start3A_836 = tpu.memref_slice %arg5[%dma_start3A_832, %dma_start3A_834, %dma_start3A_835] : memref<4x2x128xi32, #tpu.memory_space<vmem>> -> memref<1x2x128xi32, #tpu.memory_space<vmem>>
        %dma_start3A_837 = tpu.memref_squeeze %dma_start3A_836 : memref<1x2x128xi32, #tpu.memory_space<vmem>> -> memref<2x128xi32, #tpu.memory_space<vmem>>
        %dma_start3A_838 = arith.constant 0 : i32
        %dma_start3A_839 = tpu.memref_slice %arg2[%add3A_831, %dma_start3A_838] : memref<21504x128xi32, #tpu.memory_space<hbm>> -> memref<2x128xi32, #tpu.memory_space<hbm>>
        %dma_start3A_840 = tpu.memref_slice %arg7[%dma_start3A_833] : memref<4x!tpu.dma_semaphore, #tpu.memory_space<semaphore_mem>> -> memref<1x!tpu.dma_semaphore, #tpu.memory_space<semaphore_mem>>
        %dma_start3A_841 = tpu.memref_squeeze %dma_start3A_840 : memref<1x!tpu.dma_semaphore, #tpu.memory_space<semaphore_mem>> -> memref<!tpu.dma_semaphore, #tpu.memory_space<semaphore_mem>>
        %dma_start3A_842 = arith.constant 0 : i32
        %dma_start3A_843 = arith.constant 0 : i32
        %dma_start3A_844 = tpu.memref_slice %arg5[%dma_start3A_832, %dma_start3A_842, %dma_start3A_843] : memref<4x2x128xi32, #tpu.memory_space<vmem>> -> memref<1x2x128xi32, #tpu.memory_space<vmem>>
        %dma_start3A_845 = tpu.memref_squeeze %dma_start3A_844 : memref<1x2x128xi32, #tpu.memory_space<vmem>> -> memref<2x128xi32, #tpu.memory_space<vmem>>
        %dma_start3A_846 = arith.constant 0 : i32
        %dma_start3A_847 = tpu.memref_slice %arg2[%add3A_831, %dma_start3A_846] : memref<21504x128xi32, #tpu.memory_space<hbm>> -> memref<2x128xi32, #tpu.memory_space<hbm>>
        tpu.enqueue_dma source(%dma_start3A_847 : memref<2x128xi32, #tpu.memory_space<hbm>>) target(%dma_start3A_845 : memref<2x128xi32, #tpu.memory_space<vmem>>) target_semaphore(%dma_start3A_841 : memref<!tpu.dma_semaphore, #tpu.memory_space<semaphore_mem>>)
      } else {
      }
      %mul3A_569 = arith.constant 4 : i32
      %mul3A_570 = arith.muli %mul3A_569, %scan3A_166 : i32
      %add3A_571 = arith.constant 1 : i32
      %add3A_572 = arith.addi %mul3A_570, %add3A_571 : i32
      %dma_wait3A_573 = arith.constant 1 : i32
      %dma_wait3A_574 = arith.constant 0 : i32
      %dma_wait3A_575 = arith.constant 1 : i32
      %dma_wait3A_576 = arith.constant 0 : i32
      %dma_wait3A_577 = arith.constant 1 : i32
      %dma_wait3A_578 = arith.constant 0 : i32
      %dma_wait3A_579 = arith.constant 0 : i32
      %dma_wait3A_580 = arith.constant 0 : i32
      %dma_wait3A_581 = tpu.memref_slice %arg6[%dma_wait3A_575, %dma_wait3A_578, %dma_wait3A_579, %dma_wait3A_580] : memref<4x2x128x64xf32, #tpu.memory_space<vmem>> -> memref<1x2x128x64xf32, #tpu.memory_space<vmem>>
      %dma_wait3A_582 = tpu.memref_squeeze %dma_wait3A_581 : memref<1x2x128x64xf32, #tpu.memory_space<vmem>> -> memref<2x128x64xf32, #tpu.memory_space<vmem>>
      %dma_wait3A_583 = arith.constant 0 : i32
      %dma_wait3A_584 = arith.constant 0 : i32
      %dma_wait3A_585 = tpu.memref_slice %dma_wait3A_582[%dma_wait3A_576, %dma_wait3A_583, %dma_wait3A_584] : memref<2x128x64xf32, #tpu.memory_space<vmem>> -> memref<1x128x64xf32, #tpu.memory_space<vmem>>
      %dma_wait3A_586 = tpu.memref_squeeze %dma_wait3A_585 : memref<1x128x64xf32, #tpu.memory_space<vmem>> -> memref<128x64xf32, #tpu.memory_space<vmem>>
      %dma_wait3A_587 = arith.constant 0 : i32
      %dma_wait3A_588 = arith.constant 0 : i32
      %dma_wait3A_589 = tpu.memref_slice %arg5[%dma_wait3A_573, %dma_wait3A_587, %dma_wait3A_588] : memref<4x2x128xi32, #tpu.memory_space<vmem>> -> memref<1x2x128xi32, #tpu.memory_space<vmem>>
      %dma_wait3A_590 = tpu.memref_squeeze %dma_wait3A_589 : memref<1x2x128xi32, #tpu.memory_space<vmem>> -> memref<2x128xi32, #tpu.memory_space<vmem>>
      %dma_wait3A_591 = arith.constant 0 : i32
      %dma_wait3A_592 = tpu.memref_slice %dma_wait3A_590[%dma_wait3A_574, %dma_wait3A_591] : memref<2x128xi32, #tpu.memory_space<vmem>> -> memref<1x128xi32, #tpu.memory_space<vmem>>
      %dma_wait3A_593 = tpu.memref_squeeze %dma_wait3A_592 : memref<1x128xi32, #tpu.memory_space<vmem>> -> memref<128xi32, #tpu.memory_space<vmem>>
      %dma_wait3A_594 = arith.constant 0 : i32
      %dma_wait3A_595 = arith.constant 0 : i32
      %dma_wait3A_596 = tpu.memref_slice %arg3[%dma_wait3A_594, %dma_wait3A_595] : memref<100000x64xf32, #tpu.memory_space<hbm>> -> memref<100000x64xf32, #tpu.memory_space<hbm>>
      %dma_wait3A_597 = tpu.memref_slice %arg8[%dma_wait3A_577] : memref<4x!tpu.dma_semaphore, #tpu.memory_space<semaphore_mem>> -> memref<1x!tpu.dma_semaphore, #tpu.memory_space<semaphore_mem>>
      %dma_wait3A_598 = tpu.memref_squeeze %dma_wait3A_597 : memref<1x!tpu.dma_semaphore, #tpu.memory_space<semaphore_mem>> -> memref<!tpu.dma_semaphore, #tpu.memory_space<semaphore_mem>>
      tpu.wait_indirect_dma semaphore(%dma_wait3A_598 : memref<!tpu.dma_semaphore, #tpu.memory_space<semaphore_mem>>) src(%dma_wait3A_596 : memref<100000x64xf32, #tpu.memory_space<hbm>>) dst(%dma_wait3A_586 : memref<128x64xf32, #tpu.memory_space<vmem>>)
      %dma_wait3A_599 = arith.constant 1 : i32
      %dma_wait3A_600 = arith.constant 1 : i32
      %dma_wait3A_601 = arith.constant 1 : i32
      %dma_wait3A_602 = arith.constant 1 : i32
      %dma_wait3A_603 = arith.constant 1 : i32
      %dma_wait3A_604 = arith.constant 0 : i32
      %dma_wait3A_605 = arith.constant 0 : i32
      %dma_wait3A_606 = arith.constant 0 : i32
      %dma_wait3A_607 = tpu.memref_slice %arg6[%dma_wait3A_601, %dma_wait3A_604, %dma_wait3A_605, %dma_wait3A_606] : memref<4x2x128x64xf32, #tpu.memory_space<vmem>> -> memref<1x2x128x64xf32, #tpu.memory_space<vmem>>
      %dma_wait3A_608 = tpu.memref_squeeze %dma_wait3A_607 : memref<1x2x128x64xf32, #tpu.memory_space<vmem>> -> memref<2x128x64xf32, #tpu.memory_space<vmem>>
      %dma_wait3A_609 = arith.constant 0 : i32
      %dma_wait3A_610 = arith.constant 0 : i32
      %dma_wait3A_611 = tpu.memref_slice %dma_wait3A_608[%dma_wait3A_602, %dma_wait3A_609, %dma_wait3A_610] : memref<2x128x64xf32, #tpu.memory_space<vmem>> -> memref<1x128x64xf32, #tpu.memory_space<vmem>>
      %dma_wait3A_612 = tpu.memref_squeeze %dma_wait3A_611 : memref<1x128x64xf32, #tpu.memory_space<vmem>> -> memref<128x64xf32, #tpu.memory_space<vmem>>
      %dma_wait3A_613 = arith.constant 0 : i32
      %dma_wait3A_614 = arith.constant 0 : i32
      %dma_wait3A_615 = tpu.memref_slice %arg5[%dma_wait3A_599, %dma_wait3A_613, %dma_wait3A_614] : memref<4x2x128xi32, #tpu.memory_space<vmem>> -> memref<1x2x128xi32, #tpu.memory_space<vmem>>
      %dma_wait3A_616 = tpu.memref_squeeze %dma_wait3A_615 : memref<1x2x128xi32, #tpu.memory_space<vmem>> -> memref<2x128xi32, #tpu.memory_space<vmem>>
      %dma_wait3A_617 = arith.constant 0 : i32
      %dma_wait3A_618 = tpu.memref_slice %dma_wait3A_616[%dma_wait3A_600, %dma_wait3A_617] : memref<2x128xi32, #tpu.memory_space<vmem>> -> memref<1x128xi32, #tpu.memory_space<vmem>>
      %dma_wait3A_619 = tpu.memref_squeeze %dma_wait3A_618 : memref<1x128xi32, #tpu.memory_space<vmem>> -> memref<128xi32, #tpu.memory_space<vmem>>
      %dma_wait3A_620 = arith.constant 0 : i32
      %dma_wait3A_621 = arith.constant 0 : i32
      %dma_wait3A_622 = tpu.memref_slice %arg3[%dma_wait3A_620, %dma_wait3A_621] : memref<100000x64xf32, #tpu.memory_space<hbm>> -> memref<100000x64xf32, #tpu.memory_space<hbm>>
      %dma_wait3A_623 = tpu.memref_slice %arg8[%dma_wait3A_603] : memref<4x!tpu.dma_semaphore, #tpu.memory_space<semaphore_mem>> -> memref<1x!tpu.dma_semaphore, #tpu.memory_space<semaphore_mem>>
      %dma_wait3A_624 = tpu.memref_squeeze %dma_wait3A_623 : memref<1x!tpu.dma_semaphore, #tpu.memory_space<semaphore_mem>> -> memref<!tpu.dma_semaphore, #tpu.memory_space<semaphore_mem>>
      tpu.wait_indirect_dma semaphore(%dma_wait3A_624 : memref<!tpu.dma_semaphore, #tpu.memory_space<semaphore_mem>>) src(%dma_wait3A_622 : memref<100000x64xf32, #tpu.memory_space<hbm>>) dst(%dma_wait3A_612 : memref<128x64xf32, #tpu.memory_space<vmem>>)
      %mul3A_625 = arith.constant 2 : i32
      %mul3A_626 = arith.muli %add3A_572, %mul3A_625 : i32
      %add3A_627 = arith.addi %mul3A_2, %mul3A_626 : i32
      %dma_start3A_628 = arith.constant 1 : i32
      %dma_start3A_629 = arith.constant 1 : i32
      %dma_start3A_630 = arith.constant 0 : i32
      %dma_start3A_631 = arith.constant 0 : i32
      %dma_start3A_632 = arith.constant 0 : i32
      %dma_start3A_633 = tpu.memref_slice %arg6[%dma_start3A_628, %dma_start3A_630, %dma_start3A_631, %dma_start3A_632] : memref<4x2x128x64xf32, #tpu.memory_space<vmem>> -> memref<1x2x128x64xf32, #tpu.memory_space<vmem>>
      %dma_start3A_634 = tpu.memref_squeeze %dma_start3A_633 : memref<1x2x128x64xf32, #tpu.memory_space<vmem>> -> memref<2x128x64xf32, #tpu.memory_space<vmem>>
      %dma_start3A_635 = arith.constant 0 : i32
      %dma_start3A_636 = arith.constant 0 : i32
      %dma_start3A_637 = tpu.memref_slice %arg4[%add3A_627, %dma_start3A_635, %dma_start3A_636] : memref<21504x128x64xf32, #tpu.memory_space<hbm>> -> memref<2x128x64xf32, #tpu.memory_space<hbm>>
      %dma_start3A_638 = tpu.memref_slice %arg9[%dma_start3A_629] : memref<4x!tpu.dma_semaphore, #tpu.memory_space<semaphore_mem>> -> memref<1x!tpu.dma_semaphore, #tpu.memory_space<semaphore_mem>>
      %dma_start3A_639 = tpu.memref_squeeze %dma_start3A_638 : memref<1x!tpu.dma_semaphore, #tpu.memory_space<semaphore_mem>> -> memref<!tpu.dma_semaphore, #tpu.memory_space<semaphore_mem>>
      %dma_start3A_640 = arith.constant 0 : i32
      %dma_start3A_641 = arith.constant 0 : i32
      %dma_start3A_642 = tpu.memref_slice %arg4[%add3A_627, %dma_start3A_640, %dma_start3A_641] : memref<21504x128x64xf32, #tpu.memory_space<hbm>> -> memref<2x128x64xf32, #tpu.memory_space<hbm>>
      %dma_start3A_643 = arith.constant 0 : i32
      %dma_start3A_644 = arith.constant 0 : i32
      %dma_start3A_645 = arith.constant 0 : i32
      %dma_start3A_646 = tpu.memref_slice %arg6[%dma_start3A_628, %dma_start3A_643, %dma_start3A_644, %dma_start3A_645] : memref<4x2x128x64xf32, #tpu.memory_space<vmem>> -> memref<1x2x128x64xf32, #tpu.memory_space<vmem>>
      %dma_start3A_647 = tpu.memref_squeeze %dma_start3A_646 : memref<1x2x128x64xf32, #tpu.memory_space<vmem>> -> memref<2x128x64xf32, #tpu.memory_space<vmem>>
      tpu.enqueue_dma source(%dma_start3A_647 : memref<2x128x64xf32, #tpu.memory_space<vmem>>) target(%dma_start3A_642 : memref<2x128x64xf32, #tpu.memory_space<hbm>>) target_semaphore(%dma_start3A_639 : memref<!tpu.dma_semaphore, #tpu.memory_space<semaphore_mem>>)
      %add3A_648 = arith.constant 4 : i32
      %add3A_649 = arith.addi %add3A_572, %add3A_648 : i32
      %lt3A_650 = arith.constant 336 : i32
      %lt3A_651 = arith.cmpi slt, %add3A_649, %lt3A_650 : i32
      %convert_element_type3A_652 = arith.extui %lt3A_651 : i1 to i32
      %cond3A_653 = arith.constant 0 : i32
      %cond3A_654 = arith.cmpi ne, %convert_element_type3A_652, %cond3A_653 : i32
      scf.if %cond3A_654 {
        %add3A_827 = arith.constant 4 : i32
        %add3A_828 = arith.addi %add3A_572, %add3A_827 : i32
        %mul3A_829 = arith.constant 2 : i32
        %mul3A_830 = arith.muli %add3A_828, %mul3A_829 : i32
        %add3A_831 = arith.addi %mul3A_2, %mul3A_830 : i32
        %dma_start3A_832 = arith.constant 1 : i32
        %dma_start3A_833 = arith.constant 1 : i32
        %dma_start3A_834 = arith.constant 0 : i32
        %dma_start3A_835 = arith.constant 0 : i32
        %dma_start3A_836 = tpu.memref_slice %arg5[%dma_start3A_832, %dma_start3A_834, %dma_start3A_835] : memref<4x2x128xi32, #tpu.memory_space<vmem>> -> memref<1x2x128xi32, #tpu.memory_space<vmem>>
        %dma_start3A_837 = tpu.memref_squeeze %dma_start3A_836 : memref<1x2x128xi32, #tpu.memory_space<vmem>> -> memref<2x128xi32, #tpu.memory_space<vmem>>
        %dma_start3A_838 = arith.constant 0 : i32
        %dma_start3A_839 = tpu.memref_slice %arg2[%add3A_831, %dma_start3A_838] : memref<21504x128xi32, #tpu.memory_space<hbm>> -> memref<2x128xi32, #tpu.memory_space<hbm>>
        %dma_start3A_840 = tpu.memref_slice %arg7[%dma_start3A_833] : memref<4x!tpu.dma_semaphore, #tpu.memory_space<semaphore_mem>> -> memref<1x!tpu.dma_semaphore, #tpu.memory_space<semaphore_mem>>
        %dma_start3A_841 = tpu.memref_squeeze %dma_start3A_840 : memref<1x!tpu.dma_semaphore, #tpu.memory_space<semaphore_mem>> -> memref<!tpu.dma_semaphore, #tpu.memory_space<semaphore_mem>>
        %dma_start3A_842 = arith.constant 0 : i32
        %dma_start3A_843 = arith.constant 0 : i32
        %dma_start3A_844 = tpu.memref_slice %arg5[%dma_start3A_832, %dma_start3A_842, %dma_start3A_843] : memref<4x2x128xi32, #tpu.memory_space<vmem>> -> memref<1x2x128xi32, #tpu.memory_space<vmem>>
        %dma_start3A_845 = tpu.memref_squeeze %dma_start3A_844 : memref<1x2x128xi32, #tpu.memory_space<vmem>> -> memref<2x128xi32, #tpu.memory_space<vmem>>
        %dma_start3A_846 = arith.constant 0 : i32
        %dma_start3A_847 = tpu.memref_slice %arg2[%add3A_831, %dma_start3A_846] : memref<21504x128xi32, #tpu.memory_space<hbm>> -> memref<2x128xi32, #tpu.memory_space<hbm>>
        tpu.enqueue_dma source(%dma_start3A_847 : memref<2x128xi32, #tpu.memory_space<hbm>>) target(%dma_start3A_845 : memref<2x128xi32, #tpu.memory_space<vmem>>) target_semaphore(%dma_start3A_841 : memref<!tpu.dma_semaphore, #tpu.memory_space<semaphore_mem>>)
      } else {
      }
      %mul3A_655 = arith.constant 4 : i32
      %mul3A_656 = arith.muli %mul3A_655, %scan3A_166 : i32
      %add3A_657 = arith.constant 2 : i32
      %add3A_658 = arith.addi %mul3A_656, %add3A_657 : i32
      %dma_wait3A_659 = arith.constant 2 : i32
      %dma_wait3A_660 = arith.constant 0 : i32
      %dma_wait3A_661 = arith.constant 2 : i32
      %dma_wait3A_662 = arith.constant 0 : i32
      %dma_wait3A_663 = arith.constant 2 : i32
      %dma_wait3A_664 = arith.constant 0 : i32
      %dma_wait3A_665 = arith.constant 0 : i32
      %dma_wait3A_666 = arith.constant 0 : i32
      %dma_wait3A_667 = tpu.memref_slice %arg6[%dma_wait3A_661, %dma_wait3A_664, %dma_wait3A_665, %dma_wait3A_666] : memref<4x2x128x64xf32, #tpu.memory_space<vmem>> -> memref<1x2x128x64xf32, #tpu.memory_space<vmem>>
      %dma_wait3A_668 = tpu.memref_squeeze %dma_wait3A_667 : memref<1x2x128x64xf32, #tpu.memory_space<vmem>> -> memref<2x128x64xf32, #tpu.memory_space<vmem>>
      %dma_wait3A_669 = arith.constant 0 : i32
      %dma_wait3A_670 = arith.constant 0 : i32
      %dma_wait3A_671 = tpu.memref_slice %dma_wait3A_668[%dma_wait3A_662, %dma_wait3A_669, %dma_wait3A_670] : memref<2x128x64xf32, #tpu.memory_space<vmem>> -> memref<1x128x64xf32, #tpu.memory_space<vmem>>
      %dma_wait3A_672 = tpu.memref_squeeze %dma_wait3A_671 : memref<1x128x64xf32, #tpu.memory_space<vmem>> -> memref<128x64xf32, #tpu.memory_space<vmem>>
      %dma_wait3A_673 = arith.constant 0 : i32
      %dma_wait3A_674 = arith.constant 0 : i32
      %dma_wait3A_675 = tpu.memref_slice %arg5[%dma_wait3A_659, %dma_wait3A_673, %dma_wait3A_674] : memref<4x2x128xi32, #tpu.memory_space<vmem>> -> memref<1x2x128xi32, #tpu.memory_space<vmem>>
      %dma_wait3A_676 = tpu.memref_squeeze %dma_wait3A_675 : memref<1x2x128xi32, #tpu.memory_space<vmem>> -> memref<2x128xi32, #tpu.memory_space<vmem>>
      %dma_wait3A_677 = arith.constant 0 : i32
      %dma_wait3A_678 = tpu.memref_slice %dma_wait3A_676[%dma_wait3A_660, %dma_wait3A_677] : memref<2x128xi32, #tpu.memory_space<vmem>> -> memref<1x128xi32, #tpu.memory_space<vmem>>
      %dma_wait3A_679 = tpu.memref_squeeze %dma_wait3A_678 : memref<1x128xi32, #tpu.memory_space<vmem>> -> memref<128xi32, #tpu.memory_space<vmem>>
      %dma_wait3A_680 = arith.constant 0 : i32
      %dma_wait3A_681 = arith.constant 0 : i32
      %dma_wait3A_682 = tpu.memref_slice %arg3[%dma_wait3A_680, %dma_wait3A_681] : memref<100000x64xf32, #tpu.memory_space<hbm>> -> memref<100000x64xf32, #tpu.memory_space<hbm>>
      %dma_wait3A_683 = tpu.memref_slice %arg8[%dma_wait3A_663] : memref<4x!tpu.dma_semaphore, #tpu.memory_space<semaphore_mem>> -> memref<1x!tpu.dma_semaphore, #tpu.memory_space<semaphore_mem>>
      %dma_wait3A_684 = tpu.memref_squeeze %dma_wait3A_683 : memref<1x!tpu.dma_semaphore, #tpu.memory_space<semaphore_mem>> -> memref<!tpu.dma_semaphore, #tpu.memory_space<semaphore_mem>>
      tpu.wait_indirect_dma semaphore(%dma_wait3A_684 : memref<!tpu.dma_semaphore, #tpu.memory_space<semaphore_mem>>) src(%dma_wait3A_682 : memref<100000x64xf32, #tpu.memory_space<hbm>>) dst(%dma_wait3A_672 : memref<128x64xf32, #tpu.memory_space<vmem>>)
      %dma_wait3A_685 = arith.constant 2 : i32
      %dma_wait3A_686 = arith.constant 1 : i32
      %dma_wait3A_687 = arith.constant 2 : i32
      %dma_wait3A_688 = arith.constant 1 : i32
      %dma_wait3A_689 = arith.constant 2 : i32
      %dma_wait3A_690 = arith.constant 0 : i32
      %dma_wait3A_691 = arith.constant 0 : i32
      %dma_wait3A_692 = arith.constant 0 : i32
      %dma_wait3A_693 = tpu.memref_slice %arg6[%dma_wait3A_687, %dma_wait3A_690, %dma_wait3A_691, %dma_wait3A_692] : memref<4x2x128x64xf32, #tpu.memory_space<vmem>> -> memref<1x2x128x64xf32, #tpu.memory_space<vmem>>
      %dma_wait3A_694 = tpu.memref_squeeze %dma_wait3A_693 : memref<1x2x128x64xf32, #tpu.memory_space<vmem>> -> memref<2x128x64xf32, #tpu.memory_space<vmem>>
      %dma_wait3A_695 = arith.constant 0 : i32
      %dma_wait3A_696 = arith.constant 0 : i32
      %dma_wait3A_697 = tpu.memref_slice %dma_wait3A_694[%dma_wait3A_688, %dma_wait3A_695, %dma_wait3A_696] : memref<2x128x64xf32, #tpu.memory_space<vmem>> -> memref<1x128x64xf32, #tpu.memory_space<vmem>>
      %dma_wait3A_698 = tpu.memref_squeeze %dma_wait3A_697 : memref<1x128x64xf32, #tpu.memory_space<vmem>> -> memref<128x64xf32, #tpu.memory_space<vmem>>
      %dma_wait3A_699 = arith.constant 0 : i32
      %dma_wait3A_700 = arith.constant 0 : i32
      %dma_wait3A_701 = tpu.memref_slice %arg5[%dma_wait3A_685, %dma_wait3A_699, %dma_wait3A_700] : memref<4x2x128xi32, #tpu.memory_space<vmem>> -> memref<1x2x128xi32, #tpu.memory_space<vmem>>
      %dma_wait3A_702 = tpu.memref_squeeze %dma_wait3A_701 : memref<1x2x128xi32, #tpu.memory_space<vmem>> -> memref<2x128xi32, #tpu.memory_space<vmem>>
      %dma_wait3A_703 = arith.constant 0 : i32
      %dma_wait3A_704 = tpu.memref_slice %dma_wait3A_702[%dma_wait3A_686, %dma_wait3A_703] : memref<2x128xi32, #tpu.memory_space<vmem>> -> memref<1x128xi32, #tpu.memory_space<vmem>>
      %dma_wait3A_705 = tpu.memref_squeeze %dma_wait3A_704 : memref<1x128xi32, #tpu.memory_space<vmem>> -> memref<128xi32, #tpu.memory_space<vmem>>
      %dma_wait3A_706 = arith.constant 0 : i32
      %dma_wait3A_707 = arith.constant 0 : i32
      %dma_wait3A_708 = tpu.memref_slice %arg3[%dma_wait3A_706, %dma_wait3A_707] : memref<100000x64xf32, #tpu.memory_space<hbm>> -> memref<100000x64xf32, #tpu.memory_space<hbm>>
      %dma_wait3A_709 = tpu.memref_slice %arg8[%dma_wait3A_689] : memref<4x!tpu.dma_semaphore, #tpu.memory_space<semaphore_mem>> -> memref<1x!tpu.dma_semaphore, #tpu.memory_space<semaphore_mem>>
      %dma_wait3A_710 = tpu.memref_squeeze %dma_wait3A_709 : memref<1x!tpu.dma_semaphore, #tpu.memory_space<semaphore_mem>> -> memref<!tpu.dma_semaphore, #tpu.memory_space<semaphore_mem>>
      tpu.wait_indirect_dma semaphore(%dma_wait3A_710 : memref<!tpu.dma_semaphore, #tpu.memory_space<semaphore_mem>>) src(%dma_wait3A_708 : memref<100000x64xf32, #tpu.memory_space<hbm>>) dst(%dma_wait3A_698 : memref<128x64xf32, #tpu.memory_space<vmem>>)
      %mul3A_711 = arith.constant 2 : i32
      %mul3A_712 = arith.muli %add3A_658, %mul3A_711 : i32
      %add3A_713 = arith.addi %mul3A_2, %mul3A_712 : i32
      %dma_start3A_714 = arith.constant 2 : i32
      %dma_start3A_715 = arith.constant 2 : i32
      %dma_start3A_716 = arith.constant 0 : i32
      %dma_start3A_717 = arith.constant 0 : i32
      %dma_start3A_718 = arith.constant 0 : i32
      %dma_start3A_719 = tpu.memref_slice %arg6[%dma_start3A_714, %dma_start3A_716, %dma_start3A_717, %dma_start3A_718] : memref<4x2x128x64xf32, #tpu.memory_space<vmem>> -> memref<1x2x128x64xf32, #tpu.memory_space<vmem>>
      %dma_start3A_720 = tpu.memref_squeeze %dma_start3A_719 : memref<1x2x128x64xf32, #tpu.memory_space<vmem>> -> memref<2x128x64xf32, #tpu.memory_space<vmem>>
      %dma_start3A_721 = arith.constant 0 : i32
      %dma_start3A_722 = arith.constant 0 : i32
      %dma_start3A_723 = tpu.memref_slice %arg4[%add3A_713, %dma_start3A_721, %dma_start3A_722] : memref<21504x128x64xf32, #tpu.memory_space<hbm>> -> memref<2x128x64xf32, #tpu.memory_space<hbm>>
      %dma_start3A_724 = tpu.memref_slice %arg9[%dma_start3A_715] : memref<4x!tpu.dma_semaphore, #tpu.memory_space<semaphore_mem>> -> memref<1x!tpu.dma_semaphore, #tpu.memory_space<semaphore_mem>>
      %dma_start3A_725 = tpu.memref_squeeze %dma_start3A_724 : memref<1x!tpu.dma_semaphore, #tpu.memory_space<semaphore_mem>> -> memref<!tpu.dma_semaphore, #tpu.memory_space<semaphore_mem>>
      %dma_start3A_726 = arith.constant 0 : i32
      %dma_start3A_727 = arith.constant 0 : i32
      %dma_start3A_728 = tpu.memref_slice %arg4[%add3A_713, %dma_start3A_726, %dma_start3A_727] : memref<21504x128x64xf32, #tpu.memory_space<hbm>> -> memref<2x128x64xf32, #tpu.memory_space<hbm>>
      %dma_start3A_729 = arith.constant 0 : i32
      %dma_start3A_730 = arith.constant 0 : i32
      %dma_start3A_731 = arith.constant 0 : i32
      %dma_start3A_732 = tpu.memref_slice %arg6[%dma_start3A_714, %dma_start3A_729, %dma_start3A_730, %dma_start3A_731] : memref<4x2x128x64xf32, #tpu.memory_space<vmem>> -> memref<1x2x128x64xf32, #tpu.memory_space<vmem>>
      %dma_start3A_733 = tpu.memref_squeeze %dma_start3A_732 : memref<1x2x128x64xf32, #tpu.memory_space<vmem>> -> memref<2x128x64xf32, #tpu.memory_space<vmem>>
      tpu.enqueue_dma source(%dma_start3A_733 : memref<2x128x64xf32, #tpu.memory_space<vmem>>) target(%dma_start3A_728 : memref<2x128x64xf32, #tpu.memory_space<hbm>>) target_semaphore(%dma_start3A_725 : memref<!tpu.dma_semaphore, #tpu.memory_space<semaphore_mem>>)
      %add3A_734 = arith.constant 4 : i32
      %add3A_735 = arith.addi %add3A_658, %add3A_734 : i32
      %lt3A_736 = arith.constant 336 : i32
      %lt3A_737 = arith.cmpi slt, %add3A_735, %lt3A_736 : i32
      %convert_element_type3A_738 = arith.extui %lt3A_737 : i1 to i32
      %cond3A_739 = arith.constant 0 : i32
      %cond3A_740 = arith.cmpi ne, %convert_element_type3A_738, %cond3A_739 : i32
      scf.if %cond3A_740 {
        %add3A_827 = arith.constant 4 : i32
        %add3A_828 = arith.addi %add3A_658, %add3A_827 : i32
        %mul3A_829 = arith.constant 2 : i32
        %mul3A_830 = arith.muli %add3A_828, %mul3A_829 : i32
        %add3A_831 = arith.addi %mul3A_2, %mul3A_830 : i32
        %dma_start3A_832 = arith.constant 2 : i32
        %dma_start3A_833 = arith.constant 2 : i32
        %dma_start3A_834 = arith.constant 0 : i32
        %dma_start3A_835 = arith.constant 0 : i32
        %dma_start3A_836 = tpu.memref_slice %arg5[%dma_start3A_832, %dma_start3A_834, %dma_start3A_835] : memref<4x2x128xi32, #tpu.memory_space<vmem>> -> memref<1x2x128xi32, #tpu.memory_space<vmem>>
        %dma_start3A_837 = tpu.memref_squeeze %dma_start3A_836 : memref<1x2x128xi32, #tpu.memory_space<vmem>> -> memref<2x128xi32, #tpu.memory_space<vmem>>
        %dma_start3A_838 = arith.constant 0 : i32
        %dma_start3A_839 = tpu.memref_slice %arg2[%add3A_831, %dma_start3A_838] : memref<21504x128xi32, #tpu.memory_space<hbm>> -> memref<2x128xi32, #tpu.memory_space<hbm>>
        %dma_start3A_840 = tpu.memref_slice %arg7[%dma_start3A_833] : memref<4x!tpu.dma_semaphore, #tpu.memory_space<semaphore_mem>> -> memref<1x!tpu.dma_semaphore, #tpu.memory_space<semaphore_mem>>
        %dma_start3A_841 = tpu.memref_squeeze %dma_start3A_840 : memref<1x!tpu.dma_semaphore, #tpu.memory_space<semaphore_mem>> -> memref<!tpu.dma_semaphore, #tpu.memory_space<semaphore_mem>>
        %dma_start3A_842 = arith.constant 0 : i32
        %dma_start3A_843 = arith.constant 0 : i32
        %dma_start3A_844 = tpu.memref_slice %arg5[%dma_start3A_832, %dma_start3A_842, %dma_start3A_843] : memref<4x2x128xi32, #tpu.memory_space<vmem>> -> memref<1x2x128xi32, #tpu.memory_space<vmem>>
        %dma_start3A_845 = tpu.memref_squeeze %dma_start3A_844 : memref<1x2x128xi32, #tpu.memory_space<vmem>> -> memref<2x128xi32, #tpu.memory_space<vmem>>
        %dma_start3A_846 = arith.constant 0 : i32
        %dma_start3A_847 = tpu.memref_slice %arg2[%add3A_831, %dma_start3A_846] : memref<21504x128xi32, #tpu.memory_space<hbm>> -> memref<2x128xi32, #tpu.memory_space<hbm>>
        tpu.enqueue_dma source(%dma_start3A_847 : memref<2x128xi32, #tpu.memory_space<hbm>>) target(%dma_start3A_845 : memref<2x128xi32, #tpu.memory_space<vmem>>) target_semaphore(%dma_start3A_841 : memref<!tpu.dma_semaphore, #tpu.memory_space<semaphore_mem>>)
      } else {
      }
      %mul3A_741 = arith.constant 4 : i32
      %mul3A_742 = arith.muli %mul3A_741, %scan3A_166 : i32
      %add3A_743 = arith.constant 3 : i32
      %add3A_744 = arith.addi %mul3A_742, %add3A_743 : i32
      %dma_wait3A_745 = arith.constant 3 : i32
      %dma_wait3A_746 = arith.constant 0 : i32
      %dma_wait3A_747 = arith.constant 3 : i32
      %dma_wait3A_748 = arith.constant 0 : i32
      %dma_wait3A_749 = arith.constant 3 : i32
      %dma_wait3A_750 = arith.constant 0 : i32
      %dma_wait3A_751 = arith.constant 0 : i32
      %dma_wait3A_752 = arith.constant 0 : i32
      %dma_wait3A_753 = tpu.memref_slice %arg6[%dma_wait3A_747, %dma_wait3A_750, %dma_wait3A_751, %dma_wait3A_752] : memref<4x2x128x64xf32, #tpu.memory_space<vmem>> -> memref<1x2x128x64xf32, #tpu.memory_space<vmem>>
      %dma_wait3A_754 = tpu.memref_squeeze %dma_wait3A_753 : memref<1x2x128x64xf32, #tpu.memory_space<vmem>> -> memref<2x128x64xf32, #tpu.memory_space<vmem>>
      %dma_wait3A_755 = arith.constant 0 : i32
      %dma_wait3A_756 = arith.constant 0 : i32
      %dma_wait3A_757 = tpu.memref_slice %dma_wait3A_754[%dma_wait3A_748, %dma_wait3A_755, %dma_wait3A_756] : memref<2x128x64xf32, #tpu.memory_space<vmem>> -> memref<1x128x64xf32, #tpu.memory_space<vmem>>
      %dma_wait3A_758 = tpu.memref_squeeze %dma_wait3A_757 : memref<1x128x64xf32, #tpu.memory_space<vmem>> -> memref<128x64xf32, #tpu.memory_space<vmem>>
      %dma_wait3A_759 = arith.constant 0 : i32
      %dma_wait3A_760 = arith.constant 0 : i32
      %dma_wait3A_761 = tpu.memref_slice %arg5[%dma_wait3A_745, %dma_wait3A_759, %dma_wait3A_760] : memref<4x2x128xi32, #tpu.memory_space<vmem>> -> memref<1x2x128xi32, #tpu.memory_space<vmem>>
      %dma_wait3A_762 = tpu.memref_squeeze %dma_wait3A_761 : memref<1x2x128xi32, #tpu.memory_space<vmem>> -> memref<2x128xi32, #tpu.memory_space<vmem>>
      %dma_wait3A_763 = arith.constant 0 : i32
      %dma_wait3A_764 = tpu.memref_slice %dma_wait3A_762[%dma_wait3A_746, %dma_wait3A_763] : memref<2x128xi32, #tpu.memory_space<vmem>> -> memref<1x128xi32, #tpu.memory_space<vmem>>
      %dma_wait3A_765 = tpu.memref_squeeze %dma_wait3A_764 : memref<1x128xi32, #tpu.memory_space<vmem>> -> memref<128xi32, #tpu.memory_space<vmem>>
      %dma_wait3A_766 = arith.constant 0 : i32
      %dma_wait3A_767 = arith.constant 0 : i32
      %dma_wait3A_768 = tpu.memref_slice %arg3[%dma_wait3A_766, %dma_wait3A_767] : memref<100000x64xf32, #tpu.memory_space<hbm>> -> memref<100000x64xf32, #tpu.memory_space<hbm>>
      %dma_wait3A_769 = tpu.memref_slice %arg8[%dma_wait3A_749] : memref<4x!tpu.dma_semaphore, #tpu.memory_space<semaphore_mem>> -> memref<1x!tpu.dma_semaphore, #tpu.memory_space<semaphore_mem>>
      %dma_wait3A_770 = tpu.memref_squeeze %dma_wait3A_769 : memref<1x!tpu.dma_semaphore, #tpu.memory_space<semaphore_mem>> -> memref<!tpu.dma_semaphore, #tpu.memory_space<semaphore_mem>>
      tpu.wait_indirect_dma semaphore(%dma_wait3A_770 : memref<!tpu.dma_semaphore, #tpu.memory_space<semaphore_mem>>) src(%dma_wait3A_768 : memref<100000x64xf32, #tpu.memory_space<hbm>>) dst(%dma_wait3A_758 : memref<128x64xf32, #tpu.memory_space<vmem>>)
      %dma_wait3A_771 = arith.constant 3 : i32
      %dma_wait3A_772 = arith.constant 1 : i32
      %dma_wait3A_773 = arith.constant 3 : i32
      %dma_wait3A_774 = arith.constant 1 : i32
      %dma_wait3A_775 = arith.constant 3 : i32
      %dma_wait3A_776 = arith.constant 0 : i32
      %dma_wait3A_777 = arith.constant 0 : i32
      %dma_wait3A_778 = arith.constant 0 : i32
      %dma_wait3A_779 = tpu.memref_slice %arg6[%dma_wait3A_773, %dma_wait3A_776, %dma_wait3A_777, %dma_wait3A_778] : memref<4x2x128x64xf32, #tpu.memory_space<vmem>> -> memref<1x2x128x64xf32, #tpu.memory_space<vmem>>
      %dma_wait3A_780 = tpu.memref_squeeze %dma_wait3A_779 : memref<1x2x128x64xf32, #tpu.memory_space<vmem>> -> memref<2x128x64xf32, #tpu.memory_space<vmem>>
      %dma_wait3A_781 = arith.constant 0 : i32
      %dma_wait3A_782 = arith.constant 0 : i32
      %dma_wait3A_783 = tpu.memref_slice %dma_wait3A_780[%dma_wait3A_774, %dma_wait3A_781, %dma_wait3A_782] : memref<2x128x64xf32, #tpu.memory_space<vmem>> -> memref<1x128x64xf32, #tpu.memory_space<vmem>>
      %dma_wait3A_784 = tpu.memref_squeeze %dma_wait3A_783 : memref<1x128x64xf32, #tpu.memory_space<vmem>> -> memref<128x64xf32, #tpu.memory_space<vmem>>
      %dma_wait3A_785 = arith.constant 0 : i32
      %dma_wait3A_786 = arith.constant 0 : i32
      %dma_wait3A_787 = tpu.memref_slice %arg5[%dma_wait3A_771, %dma_wait3A_785, %dma_wait3A_786] : memref<4x2x128xi32, #tpu.memory_space<vmem>> -> memref<1x2x128xi32, #tpu.memory_space<vmem>>
      %dma_wait3A_788 = tpu.memref_squeeze %dma_wait3A_787 : memref<1x2x128xi32, #tpu.memory_space<vmem>> -> memref<2x128xi32, #tpu.memory_space<vmem>>
      %dma_wait3A_789 = arith.constant 0 : i32
      %dma_wait3A_790 = tpu.memref_slice %dma_wait3A_788[%dma_wait3A_772, %dma_wait3A_789] : memref<2x128xi32, #tpu.memory_space<vmem>> -> memref<1x128xi32, #tpu.memory_space<vmem>>
      %dma_wait3A_791 = tpu.memref_squeeze %dma_wait3A_790 : memref<1x128xi32, #tpu.memory_space<vmem>> -> memref<128xi32, #tpu.memory_space<vmem>>
      %dma_wait3A_792 = arith.constant 0 : i32
      %dma_wait3A_793 = arith.constant 0 : i32
      %dma_wait3A_794 = tpu.memref_slice %arg3[%dma_wait3A_792, %dma_wait3A_793] : memref<100000x64xf32, #tpu.memory_space<hbm>> -> memref<100000x64xf32, #tpu.memory_space<hbm>>
      %dma_wait3A_795 = tpu.memref_slice %arg8[%dma_wait3A_775] : memref<4x!tpu.dma_semaphore, #tpu.memory_space<semaphore_mem>> -> memref<1x!tpu.dma_semaphore, #tpu.memory_space<semaphore_mem>>
      %dma_wait3A_796 = tpu.memref_squeeze %dma_wait3A_795 : memref<1x!tpu.dma_semaphore, #tpu.memory_space<semaphore_mem>> -> memref<!tpu.dma_semaphore, #tpu.memory_space<semaphore_mem>>
      tpu.wait_indirect_dma semaphore(%dma_wait3A_796 : memref<!tpu.dma_semaphore, #tpu.memory_space<semaphore_mem>>) src(%dma_wait3A_794 : memref<100000x64xf32, #tpu.memory_space<hbm>>) dst(%dma_wait3A_784 : memref<128x64xf32, #tpu.memory_space<vmem>>)
      %mul3A_797 = arith.constant 2 : i32
      %mul3A_798 = arith.muli %add3A_744, %mul3A_797 : i32
      %add3A_799 = arith.addi %mul3A_2, %mul3A_798 : i32
      %dma_start3A_800 = arith.constant 3 : i32
      %dma_start3A_801 = arith.constant 3 : i32
      %dma_start3A_802 = arith.constant 0 : i32
      %dma_start3A_803 = arith.constant 0 : i32
      %dma_start3A_804 = arith.constant 0 : i32
      %dma_start3A_805 = tpu.memref_slice %arg6[%dma_start3A_800, %dma_start3A_802, %dma_start3A_803, %dma_start3A_804] : memref<4x2x128x64xf32, #tpu.memory_space<vmem>> -> memref<1x2x128x64xf32, #tpu.memory_space<vmem>>
      %dma_start3A_806 = tpu.memref_squeeze %dma_start3A_805 : memref<1x2x128x64xf32, #tpu.memory_space<vmem>> -> memref<2x128x64xf32, #tpu.memory_space<vmem>>
      %dma_start3A_807 = arith.constant 0 : i32
      %dma_start3A_808 = arith.constant 0 : i32
      %dma_start3A_809 = tpu.memref_slice %arg4[%add3A_799, %dma_start3A_807, %dma_start3A_808] : memref<21504x128x64xf32, #tpu.memory_space<hbm>> -> memref<2x128x64xf32, #tpu.memory_space<hbm>>
      %dma_start3A_810 = tpu.memref_slice %arg9[%dma_start3A_801] : memref<4x!tpu.dma_semaphore, #tpu.memory_space<semaphore_mem>> -> memref<1x!tpu.dma_semaphore, #tpu.memory_space<semaphore_mem>>
      %dma_start3A_811 = tpu.memref_squeeze %dma_start3A_810 : memref<1x!tpu.dma_semaphore, #tpu.memory_space<semaphore_mem>> -> memref<!tpu.dma_semaphore, #tpu.memory_space<semaphore_mem>>
      %dma_start3A_812 = arith.constant 0 : i32
      %dma_start3A_813 = arith.constant 0 : i32
      %dma_start3A_814 = tpu.memref_slice %arg4[%add3A_799, %dma_start3A_812, %dma_start3A_813] : memref<21504x128x64xf32, #tpu.memory_space<hbm>> -> memref<2x128x64xf32, #tpu.memory_space<hbm>>
      %dma_start3A_815 = arith.constant 0 : i32
      %dma_start3A_816 = arith.constant 0 : i32
      %dma_start3A_817 = arith.constant 0 : i32
      %dma_start3A_818 = tpu.memref_slice %arg6[%dma_start3A_800, %dma_start3A_815, %dma_start3A_816, %dma_start3A_817] : memref<4x2x128x64xf32, #tpu.memory_space<vmem>> -> memref<1x2x128x64xf32, #tpu.memory_space<vmem>>
      %dma_start3A_819 = tpu.memref_squeeze %dma_start3A_818 : memref<1x2x128x64xf32, #tpu.memory_space<vmem>> -> memref<2x128x64xf32, #tpu.memory_space<vmem>>
      tpu.enqueue_dma source(%dma_start3A_819 : memref<2x128x64xf32, #tpu.memory_space<vmem>>) target(%dma_start3A_814 : memref<2x128x64xf32, #tpu.memory_space<hbm>>) target_semaphore(%dma_start3A_811 : memref<!tpu.dma_semaphore, #tpu.memory_space<semaphore_mem>>)
      %add3A_820 = arith.constant 4 : i32
      %add3A_821 = arith.addi %add3A_744, %add3A_820 : i32
      %lt3A_822 = arith.constant 336 : i32
      %lt3A_823 = arith.cmpi slt, %add3A_821, %lt3A_822 : i32
      %convert_element_type3A_824 = arith.extui %lt3A_823 : i1 to i32
      %cond3A_825 = arith.constant 0 : i32
      %cond3A_826 = arith.cmpi ne, %convert_element_type3A_824, %cond3A_825 : i32
      scf.if %cond3A_826 {
        %add3A_827 = arith.constant 4 : i32
        %add3A_828 = arith.addi %add3A_744, %add3A_827 : i32
        %mul3A_829 = arith.constant 2 : i32
        %mul3A_830 = arith.muli %add3A_828, %mul3A_829 : i32
        %add3A_831 = arith.addi %mul3A_2, %mul3A_830 : i32
        %dma_start3A_832 = arith.constant 3 : i32
        %dma_start3A_833 = arith.constant 3 : i32
        %dma_start3A_834 = arith.constant 0 : i32
        %dma_start3A_835 = arith.constant 0 : i32
        %dma_start3A_836 = tpu.memref_slice %arg5[%dma_start3A_832, %dma_start3A_834, %dma_start3A_835] : memref<4x2x128xi32, #tpu.memory_space<vmem>> -> memref<1x2x128xi32, #tpu.memory_space<vmem>>
        %dma_start3A_837 = tpu.memref_squeeze %dma_start3A_836 : memref<1x2x128xi32, #tpu.memory_space<vmem>> -> memref<2x128xi32, #tpu.memory_space<vmem>>
        %dma_start3A_838 = arith.constant 0 : i32
        %dma_start3A_839 = tpu.memref_slice %arg2[%add3A_831, %dma_start3A_838] : memref<21504x128xi32, #tpu.memory_space<hbm>> -> memref<2x128xi32, #tpu.memory_space<hbm>>
        %dma_start3A_840 = tpu.memref_slice %arg7[%dma_start3A_833] : memref<4x!tpu.dma_semaphore, #tpu.memory_space<semaphore_mem>> -> memref<1x!tpu.dma_semaphore, #tpu.memory_space<semaphore_mem>>
        %dma_start3A_841 = tpu.memref_squeeze %dma_start3A_840 : memref<1x!tpu.dma_semaphore, #tpu.memory_space<semaphore_mem>> -> memref<!tpu.dma_semaphore, #tpu.memory_space<semaphore_mem>>
        %dma_start3A_842 = arith.constant 0 : i32
        %dma_start3A_843 = arith.constant 0 : i32
        %dma_start3A_844 = tpu.memref_slice %arg5[%dma_start3A_832, %dma_start3A_842, %dma_start3A_843] : memref<4x2x128xi32, #tpu.memory_space<vmem>> -> memref<1x2x128xi32, #tpu.memory_space<vmem>>
        %dma_start3A_845 = tpu.memref_squeeze %dma_start3A_844 : memref<1x2x128xi32, #tpu.memory_space<vmem>> -> memref<2x128xi32, #tpu.memory_space<vmem>>
        %dma_start3A_846 = arith.constant 0 : i32
        %dma_start3A_847 = tpu.memref_slice %arg2[%add3A_831, %dma_start3A_846] : memref<21504x128xi32, #tpu.memory_space<hbm>> -> memref<2x128xi32, #tpu.memory_space<hbm>>
        tpu.enqueue_dma source(%dma_start3A_847 : memref<2x128xi32, #tpu.memory_space<hbm>>) target(%dma_start3A_845 : memref<2x128xi32, #tpu.memory_space<vmem>>) target_semaphore(%dma_start3A_841 : memref<!tpu.dma_semaphore, #tpu.memory_space<semaphore_mem>>)
      } else {
      }
    }
    %scan3A_78 = arith.constant 84 : i32
    %add3A_79 = arith.constant 664 : i32
    %add3A_80 = arith.addi %mul3A_2, %add3A_79 : i32
    %dma_wait3A = arith.constant 0 : i32
    %dma_wait3A_81 = arith.constant 0 : i32
    %dma_wait3A_82 = arith.constant 0 : i32
    %dma_wait3A_83 = arith.constant 0 : i32
    %dma_wait3A_84 = arith.constant 0 : i32
    %dma_wait3A_85 = tpu.memref_slice %arg6[%dma_wait3A, %dma_wait3A_82, %dma_wait3A_83, %dma_wait3A_84] : memref<4x2x128x64xf32, #tpu.memory_space<vmem>> -> memref<1x2x128x64xf32, #tpu.memory_space<vmem>>
    %dma_wait3A_86 = tpu.memref_squeeze %dma_wait3A_85 : memref<1x2x128x64xf32, #tpu.memory_space<vmem>> -> memref<2x128x64xf32, #tpu.memory_space<vmem>>
    %dma_wait3A_87 = arith.constant 0 : i32
    %dma_wait3A_88 = arith.constant 0 : i32
    %dma_wait3A_89 = tpu.memref_slice %arg4[%add3A_80, %dma_wait3A_87, %dma_wait3A_88] : memref<21504x128x64xf32, #tpu.memory_space<hbm>> -> memref<2x128x64xf32, #tpu.memory_space<hbm>>
    %dma_wait3A_90 = tpu.memref_slice %arg9[%dma_wait3A_81] : memref<4x!tpu.dma_semaphore, #tpu.memory_space<semaphore_mem>> -> memref<1x!tpu.dma_semaphore, #tpu.memory_space<semaphore_mem>>
    %dma_wait3A_91 = tpu.memref_squeeze %dma_wait3A_90 : memref<1x!tpu.dma_semaphore, #tpu.memory_space<semaphore_mem>> -> memref<!tpu.dma_semaphore, #tpu.memory_space<semaphore_mem>>
    %dma_wait3A_92 = arith.constant 0 : i32
    %dma_wait3A_93 = arith.constant 0 : i32
    %dma_wait3A_94 = tpu.memref_slice %arg4[%add3A_80, %dma_wait3A_92, %dma_wait3A_93] : memref<21504x128x64xf32, #tpu.memory_space<hbm>> -> memref<2x128x64xf32, #tpu.memory_space<hbm>>
    %dma_wait3A_95 = arith.constant 0 : i32
    %dma_wait3A_96 = arith.constant 0 : i32
    %dma_wait3A_97 = arith.constant 0 : i32
    %dma_wait3A_98 = tpu.memref_slice %arg6[%dma_wait3A, %dma_wait3A_95, %dma_wait3A_96, %dma_wait3A_97] : memref<4x2x128x64xf32, #tpu.memory_space<vmem>> -> memref<1x2x128x64xf32, #tpu.memory_space<vmem>>
    %dma_wait3A_99 = tpu.memref_squeeze %dma_wait3A_98 : memref<1x2x128x64xf32, #tpu.memory_space<vmem>> -> memref<2x128x64xf32, #tpu.memory_space<vmem>>
    tpu.wait_dma2 semaphore(%dma_wait3A_91 : memref<!tpu.dma_semaphore, #tpu.memory_space<semaphore_mem>>) src(%dma_wait3A_99 : memref<2x128x64xf32, #tpu.memory_space<vmem>>) dst(%dma_wait3A_94 : memref<2x128x64xf32, #tpu.memory_space<hbm>>)
    %add3A_100 = arith.constant 666 : i32
    %add3A_101 = arith.addi %mul3A_2, %add3A_100 : i32
    %dma_wait3A_102 = arith.constant 1 : i32
    %dma_wait3A_103 = arith.constant 1 : i32
    %dma_wait3A_104 = arith.constant 0 : i32
    %dma_wait3A_105 = arith.constant 0 : i32
    %dma_wait3A_106 = arith.constant 0 : i32
    %dma_wait3A_107 = tpu.memref_slice %arg6[%dma_wait3A_102, %dma_wait3A_104, %dma_wait3A_105, %dma_wait3A_106] : memref<4x2x128x64xf32, #tpu.memory_space<vmem>> -> memref<1x2x128x64xf32, #tpu.memory_space<vmem>>
    %dma_wait3A_108 = tpu.memref_squeeze %dma_wait3A_107 : memref<1x2x128x64xf32, #tpu.memory_space<vmem>> -> memref<2x128x64xf32, #tpu.memory_space<vmem>>
    %dma_wait3A_109 = arith.constant 0 : i32
    %dma_wait3A_110 = arith.constant 0 : i32
    %dma_wait3A_111 = tpu.memref_slice %arg4[%add3A_101, %dma_wait3A_109, %dma_wait3A_110] : memref<21504x128x64xf32, #tpu.memory_space<hbm>> -> memref<2x128x64xf32, #tpu.memory_space<hbm>>
    %dma_wait3A_112 = tpu.memref_slice %arg9[%dma_wait3A_103] : memref<4x!tpu.dma_semaphore, #tpu.memory_space<semaphore_mem>> -> memref<1x!tpu.dma_semaphore, #tpu.memory_space<semaphore_mem>>
    %dma_wait3A_113 = tpu.memref_squeeze %dma_wait3A_112 : memref<1x!tpu.dma_semaphore, #tpu.memory_space<semaphore_mem>> -> memref<!tpu.dma_semaphore, #tpu.memory_space<semaphore_mem>>
    %dma_wait3A_114 = arith.constant 0 : i32
    %dma_wait3A_115 = arith.constant 0 : i32
    %dma_wait3A_116 = tpu.memref_slice %arg4[%add3A_101, %dma_wait3A_114, %dma_wait3A_115] : memref<21504x128x64xf32, #tpu.memory_space<hbm>> -> memref<2x128x64xf32, #tpu.memory_space<hbm>>
    %dma_wait3A_117 = arith.constant 0 : i32
    %dma_wait3A_118 = arith.constant 0 : i32
    %dma_wait3A_119 = arith.constant 0 : i32
    %dma_wait3A_120 = tpu.memref_slice %arg6[%dma_wait3A_102, %dma_wait3A_117, %dma_wait3A_118, %dma_wait3A_119] : memref<4x2x128x64xf32, #tpu.memory_space<vmem>> -> memref<1x2x128x64xf32, #tpu.memory_space<vmem>>
    %dma_wait3A_121 = tpu.memref_squeeze %dma_wait3A_120 : memref<1x2x128x64xf32, #tpu.memory_space<vmem>> -> memref<2x128x64xf32, #tpu.memory_space<vmem>>
    tpu.wait_dma2 semaphore(%dma_wait3A_113 : memref<!tpu.dma_semaphore, #tpu.memory_space<semaphore_mem>>) src(%dma_wait3A_121 : memref<2x128x64xf32, #tpu.memory_space<vmem>>) dst(%dma_wait3A_116 : memref<2x128x64xf32, #tpu.memory_space<hbm>>)
    %add3A_122 = arith.constant 668 : i32
    %add3A_123 = arith.addi %mul3A_2, %add3A_122 : i32
    %dma_wait3A_124 = arith.constant 2 : i32
    %dma_wait3A_125 = arith.constant 2 : i32
    %dma_wait3A_126 = arith.constant 0 : i32
    %dma_wait3A_127 = arith.constant 0 : i32
    %dma_wait3A_128 = arith.constant 0 : i32
    %dma_wait3A_129 = tpu.memref_slice %arg6[%dma_wait3A_124, %dma_wait3A_126, %dma_wait3A_127, %dma_wait3A_128] : memref<4x2x128x64xf32, #tpu.memory_space<vmem>> -> memref<1x2x128x64xf32, #tpu.memory_space<vmem>>
    %dma_wait3A_130 = tpu.memref_squeeze %dma_wait3A_129 : memref<1x2x128x64xf32, #tpu.memory_space<vmem>> -> memref<2x128x64xf32, #tpu.memory_space<vmem>>
    %dma_wait3A_131 = arith.constant 0 : i32
    %dma_wait3A_132 = arith.constant 0 : i32
    %dma_wait3A_133 = tpu.memref_slice %arg4[%add3A_123, %dma_wait3A_131, %dma_wait3A_132] : memref<21504x128x64xf32, #tpu.memory_space<hbm>> -> memref<2x128x64xf32, #tpu.memory_space<hbm>>
    %dma_wait3A_134 = tpu.memref_slice %arg9[%dma_wait3A_125] : memref<4x!tpu.dma_semaphore, #tpu.memory_space<semaphore_mem>> -> memref<1x!tpu.dma_semaphore, #tpu.memory_space<semaphore_mem>>
    %dma_wait3A_135 = tpu.memref_squeeze %dma_wait3A_134 : memref<1x!tpu.dma_semaphore, #tpu.memory_space<semaphore_mem>> -> memref<!tpu.dma_semaphore, #tpu.memory_space<semaphore_mem>>
    %dma_wait3A_136 = arith.constant 0 : i32
    %dma_wait3A_137 = arith.constant 0 : i32
    %dma_wait3A_138 = tpu.memref_slice %arg4[%add3A_123, %dma_wait3A_136, %dma_wait3A_137] : memref<21504x128x64xf32, #tpu.memory_space<hbm>> -> memref<2x128x64xf32, #tpu.memory_space<hbm>>
    %dma_wait3A_139 = arith.constant 0 : i32
    %dma_wait3A_140 = arith.constant 0 : i32
    %dma_wait3A_141 = arith.constant 0 : i32
    %dma_wait3A_142 = tpu.memref_slice %arg6[%dma_wait3A_124, %dma_wait3A_139, %dma_wait3A_140, %dma_wait3A_141] : memref<4x2x128x64xf32, #tpu.memory_space<vmem>> -> memref<1x2x128x64xf32, #tpu.memory_space<vmem>>
    %dma_wait3A_143 = tpu.memref_squeeze %dma_wait3A_142 : memref<1x2x128x64xf32, #tpu.memory_space<vmem>> -> memref<2x128x64xf32, #tpu.memory_space<vmem>>
    tpu.wait_dma2 semaphore(%dma_wait3A_135 : memref<!tpu.dma_semaphore, #tpu.memory_space<semaphore_mem>>) src(%dma_wait3A_143 : memref<2x128x64xf32, #tpu.memory_space<vmem>>) dst(%dma_wait3A_138 : memref<2x128x64xf32, #tpu.memory_space<hbm>>)
    %add3A_144 = arith.constant 670 : i32
    %add3A_145 = arith.addi %mul3A_2, %add3A_144 : i32
    %dma_wait3A_146 = arith.constant 3 : i32
    %dma_wait3A_147 = arith.constant 3 : i32
    %dma_wait3A_148 = arith.constant 0 : i32
    %dma_wait3A_149 = arith.constant 0 : i32
    %dma_wait3A_150 = arith.constant 0 : i32
    %dma_wait3A_151 = tpu.memref_slice %arg6[%dma_wait3A_146, %dma_wait3A_148, %dma_wait3A_149, %dma_wait3A_150] : memref<4x2x128x64xf32, #tpu.memory_space<vmem>> -> memref<1x2x128x64xf32, #tpu.memory_space<vmem>>
    %dma_wait3A_152 = tpu.memref_squeeze %dma_wait3A_151 : memref<1x2x128x64xf32, #tpu.memory_space<vmem>> -> memref<2x128x64xf32, #tpu.memory_space<vmem>>
    %dma_wait3A_153 = arith.constant 0 : i32
    %dma_wait3A_154 = arith.constant 0 : i32
    %dma_wait3A_155 = tpu.memref_slice %arg4[%add3A_145, %dma_wait3A_153, %dma_wait3A_154] : memref<21504x128x64xf32, #tpu.memory_space<hbm>> -> memref<2x128x64xf32, #tpu.memory_space<hbm>>
    %dma_wait3A_156 = tpu.memref_slice %arg9[%dma_wait3A_147] : memref<4x!tpu.dma_semaphore, #tpu.memory_space<semaphore_mem>> -> memref<1x!tpu.dma_semaphore, #tpu.memory_space<semaphore_mem>>
    %dma_wait3A_157 = tpu.memref_squeeze %dma_wait3A_156 : memref<1x!tpu.dma_semaphore, #tpu.memory_space<semaphore_mem>> -> memref<!tpu.dma_semaphore, #tpu.memory_space<semaphore_mem>>
    %dma_wait3A_158 = arith.constant 0 : i32
    %dma_wait3A_159 = arith.constant 0 : i32
    %dma_wait3A_160 = tpu.memref_slice %arg4[%add3A_145, %dma_wait3A_158, %dma_wait3A_159] : memref<21504x128x64xf32, #tpu.memory_space<hbm>> -> memref<2x128x64xf32, #tpu.memory_space<hbm>>
    %dma_wait3A_161 = arith.constant 0 : i32
    %dma_wait3A_162 = arith.constant 0 : i32
    %dma_wait3A_163 = arith.constant 0 : i32
    %dma_wait3A_164 = tpu.memref_slice %arg6[%dma_wait3A_146, %dma_wait3A_161, %dma_wait3A_162, %dma_wait3A_163] : memref<4x2x128x64xf32, #tpu.memory_space<vmem>> -> memref<1x2x128x64xf32, #tpu.memory_space<vmem>>
    %dma_wait3A_165 = tpu.memref_squeeze %dma_wait3A_164 : memref<1x2x128x64xf32, #tpu.memory_space<vmem>> -> memref<2x128x64xf32, #tpu.memory_space<vmem>>
    tpu.wait_dma2 semaphore(%dma_wait3A_157 : memref<!tpu.dma_semaphore, #tpu.memory_space<semaphore_mem>>) src(%dma_wait3A_165 : memref<2x128x64xf32, #tpu.memory_space<vmem>>) dst(%dma_wait3A_160 : memref<2x128x64xf32, #tpu.memory_space<hbm>>)
    return
  }
}

</mosaic_0001>

<sc_bundles>
// kernel: kernel.3.cloned.1.call-start
scs
__scs_entry_jumppad:
0x0: {  	(pc) =	sbr.rel $0x88, $3  }
0x1: {  	(tag) =	ssettag $0x0;
	lr =	simm.s32 $0x1  }
0x2: {  	[smem:$0x3F9F] =	sst lr;
	_ =	strace $0xD0000000  }
0x3: {  	_ = 	snop  }
0x4: {  	_ = 	snop  }
0x5: {  	_ = 	snop  }
0x6: {  	_ = 	snop  }
0x7: {  	_ = 	snop  }
__scs_overlays_trampoline_lowered:
0x8: {  	[smem:$0x3FAE] =	sst s0  }
0x9: {  	[smem:$0x3FAF] =	sst s1  }
0xa: {  	[smem:$0x3FB0] =	sst s2  }
0xb: {  	[smem:$0x3FB1] =	sst s3  }
0xc: {  	[smem:$0x3FB2] =	sst s4  }
0xd: {  	[smem:$0x3FB3] =	sst s5  }
0xe: {  	[smem:$0x3FB4] =	sst s6  }
0xf: {  	[smem:$0x3FB5] =	sst s7  }
0x10: {  	[smem:$0x3FB6] =	sst s8  }
0x11: {  	[smem:$0x3FB7] =	sst s9;
	s0 =	simm.s32 @!p0 $0x0  }
0x12: {  	s1 =	sld [smem:$0x3F9D];
	s0 =	simm.s32 @p0 $0x1  }
0x13: {  	[smem:$0x3FB8] =	sst s0;
	s0 =	simm.s32 @!p1 $0x0  }
0x14: {  	s2 =	sld [smem:$0x3F9C];
	s0 =	simm.s32 @p1 $0x1  }
0x15: {  	[smem:$0x3FB9] =	sst s0;
	s0 =	simm.s32 @!p2 $0x0  }
0x16: {  	s3 =	sld [smem:$0x3FDB];
	s0 =	simm.s32 @p2 $0x1  }
0x17: {  	s4 =	simm.s32 $0x1BF5;
	[smem:$0x3FBB] =	sst s0  }
0x18: {  	s0 =	sld [smem:$0x3F9E];
	_ =	swait.ge [sflag:s4], $0x0  }
0x19: {  	s7 =	sld [smem:$0x3F9F]  }
0x1a: {  	s8 =	sadd.s32 $0xFFFFE003, lr  }
0x1b: {  	s9 =	sadd.s32 $0xFFFFFEF7, lr;
	s5 =	simm.s32 $0xFFFFFFFF;
	p2 =	slt.u32 s8, $0xFFFFF086  }
0x1c: {  	p1 =	slt.u32 s9, $0xF7A;
	s5 =	simm.s32 @!p2 $0x0  }
0x1d: {  	s5 =	simm.s32 @p1 $0x1;
	p0 =	seq.s32 s7, s2  }
0x1e: {  	s7 =	smul.u32 @!p0 $0xF7A, s2;
	p2 =	seq.s32 @!p0 s5, $0x0  }
0x1f: {  	s9 =	smul.u32 $0xF7A, s1;
	s8 =	simm.s32 @!p0 $0x1BF5;
	p2 =	por !p2, p0  }
0x20: {  	[sflag:s8] =	ssyncset.s32 @!p0 $0xFFFFF086;
	s6 =	sadd.s32 @!p0 s3, s7;
	s7 =	simm.s32 @!p0 $0x108  }
0x21: {  	s3 =	sadd.s32 s3, s9;
	s6 =	sadd.s32 @!p0 $0x88, s6;
	s7 =	simm.s32 @p2 $0x1082  }
0x22: {  	[simem:s7], [sflag:s8] =	dma.local @!p0 [hbm:s6], $0xF7A  }
0x23: {  	s9 =	sor.u32 $0xD0000000, s2;
	s6 =	simm.s32 $0x108;
	_ =	swait.ge @!p0 [sflag:s8], $0x0  }
0x24: {  	s3 =	sadd.s32 $0x88, s3;
	s6 =	simm.s32 @!p1 $0x1082;
	[sflag:s4] =	ssyncset.s32 $0xFFFFF086  }
0x25: {  	[simem:s6], [sflag:s4] =	dma.local [hbm:s3], $0xF7A  }
0x26: {  	[smem:$0x3F9F] =	sst s1;
	(tag) =	ssettag s2;
	_ =	strace s9  }
0x27: {  	s1 =	sld [smem:$0x3FAF]  }
0x28: {  	s2 =	sld [smem:$0x3FB0]  }
0x29: {  	s4 =	sld [smem:$0x3FB2]  }
0x2a: {  	p0 =	seq.s32 s5, $0x0;
	s5 =	sld [smem:$0x3FB3]  }
0x2b: {  	s6 =	sld [smem:$0x3FB4]  }
0x2c: {  	s7 =	sld [smem:$0x3FB5]  }
0x2d: {  	s3 =	simm.s32 $0x108;
	s8 =	sld [smem:$0x3FB6]  }
0x2e: {  	s3 =	simm.s32 @!p0 $0x1082;
	s9 =	sld [smem:$0x3FB7]  }
0x2f: {  	lr =	sadd.s32 s0, s3;
	s0 =	sld [smem:$0x3FAE]  }
0x30: {  	s3 =	sld [smem:$0x3FB1]  }
0x31: {  	[smem:$0x3FBA] =	sst s10  }
0x32: {  	s10 =	sld [smem:$0x3FB8];
	_ =	sdelay $0x3  }
0x33: {  	p0 =	seq.s32 s10, $0x1;
	s10 =	sld [smem:$0x3FBA];
	_ =	sdelay $0x3  }
0x34: {  	[smem:$0x3FBA] =	sst s10  }
0x35: {  	s10 =	sld [smem:$0x3FB9];
	_ =	sdelay $0x3  }
0x36: {  	p1 =	seq.s32 s10, $0x1;
	s10 =	sld [smem:$0x3FBA];
	_ =	sdelay $0x3  }
0x37: {  	[smem:$0x3FBA] =	sst s10  }
0x38: {  	s10 =	sld [smem:$0x3FBB]  }
0x39: {  	_ = 	snop;
	(pc) =	sbr.ind lr, $3  }
0x3a: {  	_ = 	snop  }
0x3b: {  	_ = 	snop  }
0x3c: {  	p2 =	seq.s32 s10, $0x1;
	s10 =	sld [smem:$0x3FBA]  }
0x3d: {  	_ =	shalt  }
0x3e: {  	_ =	shalt  }
0x3f: {  	_ =	shalt  }
0x40: {  	_ =	shalt  }
0x41: {  	_ =	shalt  }
0x42: {  	_ =	shalt  }
0x43: {  	_ =	shalt  }
0x44: {  	_ =	shalt  }
0x45: {  	_ =	shalt  }
0x46: {  	_ =	shalt  }
0x47: {  	_ =	shalt  }
0x48: {  	_ =	shalt  }
0x49: {  	_ =	shalt  }
0x4a: {  	_ =	shalt  }
0x4b: {  	_ =	shalt  }
0x4c: {  	_ =	shalt  }
0x4d: {  	_ =	shalt  }
0x4e: {  	_ =	shalt  }
0x4f: {  	_ =	shalt  }
0x50: {  	_ =	shalt  }
0x51: {  	_ =	shalt  }
0x52: {  	_ =	shalt  }
0x53: {  	_ =	shalt  }
0x54: {  	_ =	shalt  }
0x55: {  	_ =	shalt  }
0x56: {  	_ =	shalt  }
0x57: {  	_ =	shalt  }
0x58: {  	_ =	shalt  }
0x59: {  	_ =	shalt  }
0x5a: {  	_ =	shalt  }
0x5b: {  	_ =	shalt  }
0x5c: {  	_ =	shalt  }
0x5d: {  	_ =	shalt  }
0x5e: {  	_ =	shalt  }
0x5f: {  	_ =	shalt  }
0x60: {  	_ =	shalt  }
0x61: {  	_ =	shalt  }
0x62: {  	_ =	shalt  }
0x63: {  	_ =	shalt  }
0x64: {  	_ =	shalt  }
0x65: {  	_ =	shalt  }
0x66: {  	_ =	shalt  }
0x67: {  	_ =	shalt  }
0x68: {  	_ =	shalt  }
0x69: {  	_ =	shalt  }
0x6a: {  	_ =	shalt  }
0x6b: {  	_ =	shalt  }
0x6c: {  	_ =	shalt  }
0x6d: {  	_ =	shalt  }
0x6e: {  	_ =	shalt  }
0x6f: {  	_ =	shalt  }
0x70: {  	_ =	shalt  }
0x71: {  	_ =	shalt  }
0x72: {  	_ =	shalt  }
0x73: {  	_ =	shalt  }
0x74: {  	_ =	shalt  }
0x75: {  	_ =	shalt  }
0x76: {  	_ =	shalt  }
0x77: {  	_ =	shalt  }
0x78: {  	_ =	shalt  }
0x79: {  	_ =	shalt  }
0x7a: {  	_ =	shalt  }
0x7b: {  	_ =	shalt  }
0x7c: {  	_ =	shalt  }
0x7d: {  	_ =	shalt  }
0x7e: {  	_ =	shalt  }
0x7f: {  	_ =	shalt  }
0x80: {  	_ =	shalt  }
0x81: {  	_ =	shalt  }
0x82: {  	_ =	shalt  }
0x83: {  	_ =	shalt  }
0x84: {  	_ =	shalt  }
0x85: {  	_ =	shalt  }
0x86: {  	_ =	shalt  }
0x87: {  	_ =	shalt  }
.Lfunc_end0:
.L_simem_size_0:
called_computation.1_lowered:
.L_overlay_start_0:
0x88: {  	s2 =	sld [smem:$0x3FD9]  }
0x89: {  	s3 =	sld [smem:$0x3FFE];
	_ =	sdelay $0x1  }
0x8a: {  	s1 =	srdreg.scid  }
0x8b: {  	s0 =	sand.u32 $0x1, s1  }
0x8c: {  	s17 =	sshll.u32 s0, $0xA;
	s2 =	sadd.s32 s3, s2  }
0x8d: {  	s2 =	sadd.s32 s2, s17  }
0x8e: {  	[smem:$0x3FC6] =	sst s2  }
0x8f: {  	_ = 	snop  }
0x90: {  	s2 =	sld [smem:$0x3FD0];
	(tm) =	ssettm $0x1  }
0x91: {  	s18 =	sld [smem:$0x3FFB];
	_ =	sdelay $0x3  }
0x92: {  	_ =	strace s18  }
0x93: {  	s3 =	sld [smem:$0x3FFC];
	_ =	sdelay $0x3  }
0x94: {  	_ =	strace s3  }
0x95: {  	s3 =	sld [smem:$0x3FFD];
	_ =	sdelay $0x3  }
0x96: {  	_ =	strace s3  }
0x97: {  	_ =	strace $0x8FFFFFFF  }
0x98: {  	s19 =	sld [smem:$0x3FDB];
	_ =	sdelay $0x1  }
0x99: {  	s4 =	simm.s32 $_scs_section_size  }
0x9a: {  	s5 =	simm.s32 $_size__tile_overlayer_lowered;
	s6 =	simm.s32 $_tile_overlayer_lowered  }
0x9b: {  	s22 =	simm.s32 $0x1BFF;
	s21 =	sshll.u32 s6, $0x1;
	s3 =	sadd.s32 s4, s19  }
0x9c: {  	s7 =	simm.s32 $0x0;
	s20 =	sshll.u32 s5, $0x1;
	s5 =	sadd.s32 s21, s3  }
0x9d: {  	[timem:s7], [sflag:s22] =	dma.local [hbm:s5], s20  }
0x9e: {  	_ =	swait.ge [sflag:s22], s20  }
0x9f: {  	s4 =	ssub.s32 $0x0, s20;
	[sflag:s22] =	ssyncset.done $0x0  }
0xa0: {  	[sflag:s22] =	ssyncadd.s32 s4;
	_ =	sdelay $0x1  }
0xa1: {  	s23 =	simm.s32 $0x1B8B  }
0xa2: {  	_ =	swait.ge [sflag:s23], $0x1  }
0xa3: {  	[sflag:s23] =	ssyncset.done $0x0  }
0xa4: {  	s25 =	simm.s32 $0x1B8E;
	s24 =	sld [smem:$0x3FFE];
	[sflag:s23] =	ssyncadd.s32 $0xFFFFFFFF  }
0xa5: {  	s26 =	simm.s32 $execute0_lowered;
	[smem:$0x3FD2] =	sst s25  }
0xa6: {  	s5 =	sshll.u32 s26, $0x1;
	_ =	strace $0x80000046;
	[dreg:$0x1] =	wrdreg $0xFFFFFFFF  }
0xa7: {  	s28 =	simm.s32 $_size_execute0_lowered;
	s3 =	sadd.s32 s3, s5;
	[dreg:$0x0] =	wrdreg $0x0  }
0xa8: {  	s5 =	sshll.u32 s28, $0x1;
	[dreg:$0x2] =	wrdreg s3  }
0xa9: {  	[dreg:$0x3] =	wrdreg s5  }
0xaa: {  	[dreg:$0x4] =	wrdreg $0xC0  }
0xab: {  	_ =	task [dreg:s7], $0x5FFFF  }
0xac: {  	[dreg:$0x1] =	wrdreg $0xFFFFFFFF  }
0xad: {  	[dreg:$0x0] =	wrdreg $0x60  }
0xae: {  	[dreg:$0x2] =	wrdreg s24  }
0xaf: {  	[dreg:$0x3] =	wrdreg s2  }
0xb0: {  	[dreg:$0x4] =	wrdreg $0x9  }
0xb1: {  	_ =	task.clear_ibuf [dreg:s7], $0x5FFFF;
	_ =	strace $0x90000046  }
0xb2: {  	s29 =	simm.s32 $0x9;
	_ =	strace $0x80000048  }
0xb3: {  	_ =	swait.ge [sflag:s29], $0x1  }
0xb4: {  	[sflag:s29] =	ssyncadd.s32 $0xFFFFFFFF  }
0xb5: {  	_ =	strace $0x90000048  }
0xb6: {  	_ =	sfence  }
0xb7: {  	s30 =	sld [smem:$0x0];
	_ =	sdelay $0x2  }
0xb8: {  	s31 =	sshll.u32 s1, $0xD;
	s1 =	sshrl.u32 s1, $0x2  }
0xb9: {  	s3 =	sand.u32 $0x4000, s31;
	s1 =	sadd.s32 s1, s30  }
0xba: {  	s0 =	sor.u32 s3, s0;
	s1 =	sshll.u32 s1, $0x11  }
0xbb: {  	s0 =	sor.u32 s1, s0  }
0xbc: {  	s0 =	sadd.s32 $0x8F2B, s0  }
0xbd: {  	[sflag:s0] =	ssyncadd.remote.s32 $0x1  }
0xbe: {  	_ =	sfence.sel $0xFFFF  }
0xbf: {  	[dreg:$0x0] =	wrdreg $0xFFFFFFFF;
	(pc) =	sbr.abs _section_cstart, $3  }
0xc0: {  	[dreg:$0x1] =	wrdreg $0xFFFFFFFF  }
0xc1: {  	_ =	task.clear_ibuf [dreg:s7], $0x2FFFF;
	_ =	strace $0x9FFFFFFF  }
0xc2: {  	(tm) =	ssettm $0x7FFFFFFF  }
0xc3: {  	_ =	shalt  }
tec
execute0_lowered:
.L_overlay_start_1:
0x0: {  	(tag) =	ssettag $0x1  }
0x1: {  	s0 =	srdreg.scid  }
0x2: {  	s11 =	stileid.u32;
	s1 =	rddreg [dreg:$0x0]  }
0x3: {  	s4 =	rddreg [dreg:$0x1];
	s29 =	simm.s32 $0x3;
	s6 =	smul.u32 $0xA80000, s11  }
0x4: {  	s30 =	simm.s32 $0x8400;
	s31 =	simm.s32 $0x280;
	s9 =	smul.u32 $0x540, s11  }
0x5: {  	s13 =	simm.s32 $0x7;
	s0 =	sand.u32 $0x1, s0;
	s18 =	smul.u32 $0x2A000, s11  }
0x6: {  	s14 =	simm.s32 $0x8;
	s2 =	sshll.u32 s11, $0x1;
	s8 =	smul.u32 $0x540000, s0  }
0x7: {  	s7 =	sadd.s32 $0x64A00, s1;
	s3 =	sor.u32 s0, s2;
	s16 =	smul.u32 $0x2A0, s0  }
0x8: {  	s2 =	simm.s32 $0x0;
	s15 =	ssub.s32 $0x2, s0;
	s0 =	smul.u32 $0x15000, s0  }
0x9: {  	s5 =	smul.u32 $0x2A00, s3;
	[smem:$0x7FF] =	sst s2;
	s10 =	sshrl.u32 s15, $0x1  }
0xa: {  	s3 =	sadd.s32 $0x23F400, s1;
	_ =	strace $0x80000047;
	s1 =	ssub.s32 s15, s10  }
0xb: {  	s21 =	sadd.s32 s8, s6;
	s0 =	sadd.s32 s0, s18;
	s6 =	simm.s32 $0x380  }
0xc: {  	s8 =	simm.s32 $0x5;
	s12 =	sadd.s32 s7, s5;
	s1 =	smax.u32 s1, $0x1  }
0xd: {  	s5 =	sadd.s32 s16, s9;
	s23 =	sor.u32 $0x700, s0;
	s25 =	sor.u32 $0x600, s0  }
0xe: {  	s26 =	sor.u32 $0x500, s0;
	s0 =	sor.u32 $0x400, s0;
	[dreg:$0x3] =	wrdreg s12  }
0xf: {  	s17 =	sadd.s32 $0x20, s12;
	s19 =	sadd.s32 $0x40, s12;
	[dreg:$0x7] =	wrdreg s1  }
0x10: {  	s20 =	sadd.s32 $0x60, s12;
	s1 =	sshrl.u32 s21, $0x3;
	[dreg:$0x4] =	wrdreg s17  }
0x11: {  	s5 =	sshll.u32 s5, $0xA;
	s28 =	sshrl.u32 s26, $0x3;
	[dreg:$0x5] =	wrdreg s19  }
0x12: {  	s0 =	sshrl.u32 s0, $0x3;
	s21 =	simm.s32 $0x80;
	[dreg:$0x6] =	wrdreg s20  }
0x13: {  	s9 =	sadd.s32 s1, s4;
	s22 =	sadd.s32 s5, s4;
	s4 =	sshrl.u32 s23, $0x3  }
0x14: {  	s1 =	sshrl.u32 s25, $0x3;
	s0 =	sadd.s32 s0, s7;
	s19 =	simm.s32 $0x300  }
0x15: {  	s20 =	simm.s32 $0x1;
	s25 =	simm.s32 $0x4400;
	s5 =	simm.s32 $0xC400  }
0x16: {  	s17 =	simm.s32 $0x0;
	s10 =	sadd.s32 $0x1800, s22;
	s11 =	sadd.s32 $0x1000, s22  }
.Ltmp0:
0x17: {  	s12 =	sadd.s32 $0x800, s22;
	s24 =	sadd.s32 s4, s7;
	(pc) =	sbr.rel .LBB2_1-.Ltmp0, $4  }
0x18: {  	s1 =	sadd.s32 s1, s7;
	[dreg:$0xb] =	wrdreg s0;
	s22 =	simm.s32 $0x400  }
0x19: {  	s0 =	simm.s32 $0x4;
	s4 =	simm.s32 $0x6;
	[dreg:$0x8] =	wrdreg s24  }
0x1a: {  	[dreg:$0x9] =	wrdreg s1;
	s1 =	sadd.s32 s28, s7;
	s24 =	simm.s32 $0x2  }
0x1b: {  	s7 =	simm.s32 $0xE400;
	[dreg:$0xa] =	wrdreg s1;
	s1 =	simm.s32 $0xA400  }
.LBB2_4:
0x1c: {  	s15 =	simm.s32 $0x9  }
0x1d: {  	_ =	swait.ge [sflag:s15], $0x4000  }
0x1e: {  	[sflag:s15] =	ssyncset.done $0x0  }
0x1f: {  	s23 =	simm.s32 $0xA;
	[sflag:s15] =	ssyncadd.s32 $0xFFFFC000  }
0x20: {  	_ =	swait.ge [sflag:s23], $0x4000  }
0x21: {  	[sflag:s23] =	ssyncset.done $0x0  }
0x22: {  	s26 =	simm.s32 $0xB;
	[sflag:s23] =	ssyncadd.s32 $0xFFFFC000  }
0x23: {  	_ =	swait.ge [sflag:s26], $0x4000  }
0x24: {  	[sflag:s26] =	ssyncset.done $0x0  }
0x25: {  	s16 =	simm.s32 $0xC;
	[sflag:s26] =	ssyncadd.s32 $0xFFFFC000  }
0x26: {  	_ =	swait.ge [sflag:s16], $0x4000  }
0x27: {  	s17 =	rddreg [dreg:$0xc]  }
0x28: {  	s28 =	rddreg [dreg:$0x7];
	s17 =	sadd.s32 $0x1, s17  }
0x29: {  	p0 =	sne.s32 s17, s28  }
.Ltmp1:
0x2a: {  	_ = 	snop;
	(pc) =	sbr.rel @!p0 .LBB2_5-.Ltmp1, $3  }
0x2b: {  	_ =	sdelay $0x1  }
0x2c: {  	[sflag:s16] =	ssyncset.done $0x0  }
0x2d: {  	[sflag:s16] =	ssyncadd.s32 $0xFFFFC000  }
.LBB2_1:
0x2e: {  	[dreg:$0xc] =	wrdreg s17  }
0x2f: {  	s15 =	rddreg [dreg:$0x3]  }
0x30: {  	s18 =	rddreg [dreg:$0x4]  }
0x31: {  	s23 =	rddreg [dreg:$0x5]  }
0x32: {  	s28 =	rddreg [dreg:$0x6]  }
0x33: {  	s17 =	rddreg [dreg:$0x9]  }
0x34: {  	[tilespmem:s2], [sflag:$0x1] =	stream.linear.gather [hbm4b:s15+s2], $0x100, $0x38;
	[tilespmem:$0x10400] =	vst v63  }
0x35: {  	s16 =	simm.s32 $0x100;
	s15 =	rddreg [dreg:$0xa]  }
0x36: {  	[tilespmem:s16], [sflag:$0x2] =	stream.linear.gather [hbm4b:s18+s2], $0x100, $0x38;
	[tilespmem:$0x10400] =	vst v63  }
0x37: {  	s26 =	simm.s32 $0x200;
	s16 =	rddreg [dreg:$0xb]  }
0x38: {  	[tilespmem:s26], [sflag:$0x3] =	stream.linear.gather [hbm4b:s23+s2], $0x100, $0x38;
	[tilespmem:$0x10400] =	vst v63  }
0x39: {  	s18 =	simm.s32 $0x0;
	s23 =	rddreg [dreg:$0x8]  }
0x3a: {  	[tilespmem:s19], [sflag:$0x4] =	stream.linear.gather [hbm4b:s28+s2], $0x100, $0x38;
	[tilespmem:$0x10400] =	vst v63  }
.LBB2_2:
0x3b: {  	_ =	swait.ge [sflag:s20], $0x100  }
0x3c: {  	p0 =	seq.s32 s18, $0x0;
	[sflag:s20] =	ssyncset.done $0x0  }
0x3d: {  	s26 =	simm.s32 @!p0 $0x9;
	[sflag:s20] =	ssyncadd.s32 $0xFFFFFF00  }
0x3e: {  	_ =	swait.ge @!p0 [sflag:s26], $0x4000  }
0x3f: {  	[sflag:s26] =	ssyncset.done @!p0 $0x0  }
0x40: {  	[sflag:s26] =	ssyncadd.s32 @!p0 $0xFFFFC000  }
0x41: {  	[tilespmem:s22], [sflag:$0x5] =	stream.indirect.gather [hbm4b:s3+s21], $0x40, s2, s21, $0xb8;
	[tilespmem:$0x10400] =	vst v63  }
0x42: {  	s28 =	simm.s32 $0x2400  }
0x43: {  	[tilespmem:s28], [sflag:$0x5] =	stream.indirect.gather [hbm4b:s3+s21], $0x40, s21, s21, $0xb8;
	[tilespmem:$0x10400] =	vst v63  }
0x44: {  	_ =	swait.ge [sflag:s24], $0x100  }
0x45: {  	[sflag:s24] =	ssyncset.done $0x0  }
0x46: {  	s26 =	simm.s32 @!p0 $0xA;
	[sflag:s24] =	ssyncadd.s32 $0xFFFFFF00  }
0x47: {  	_ =	swait.ge @!p0 [sflag:s26], $0x4000  }
0x48: {  	[sflag:s26] =	ssyncset.done @!p0 $0x0  }
0x49: {  	s28 =	simm.s32 $0x100;
	[sflag:s26] =	ssyncadd.s32 @!p0 $0xFFFFC000  }
0x4a: {  	[tilespmem:s25], [sflag:$0x6] =	stream.indirect.gather [hbm4b:s3+s21], $0x40, s28, s21, $0xb8;
	[tilespmem:$0x10400] =	vst v63  }
0x4b: {  	s26 =	simm.s32 $0x180;
	s28 =	simm.s32 $0x6400  }
0x4c: {  	[tilespmem:s28], [sflag:$0x6] =	stream.indirect.gather [hbm4b:s3+s21], $0x40, s26, s21, $0xb8;
	[tilespmem:$0x10400] =	vst v63  }
0x4d: {  	_ =	swait.ge [sflag:s29], $0x100  }
0x4e: {  	[sflag:s29] =	ssyncset.done $0x0  }
0x4f: {  	s26 =	simm.s32 @!p0 $0xB;
	[sflag:s29] =	ssyncadd.s32 $0xFFFFFF00  }
0x50: {  	_ =	swait.ge @!p0 [sflag:s26], $0x4000  }
0x51: {  	[sflag:s26] =	ssyncset.done @!p0 $0x0  }
0x52: {  	s28 =	simm.s32 $0x200;
	[sflag:s26] =	ssyncadd.s32 @!p0 $0xFFFFC000  }
0x53: {  	[tilespmem:s30], [sflag:$0x7] =	stream.indirect.gather [hbm4b:s3+s21], $0x40, s28, s21, $0xb8;
	[tilespmem:$0x10400] =	vst v63  }
0x54: {  	_ = 	snop  }
0x55: {  	[tilespmem:s1], [sflag:$0x7] =	stream.indirect.gather [hbm4b:s3+s21], $0x40, s31, s21, $0xb8;
	[tilespmem:$0x10400] =	vst v63  }
0x56: {  	_ =	swait.ge [sflag:s0], $0x100  }
0x57: {  	[sflag:s0] =	ssyncset.done $0x0  }
0x58: {  	s26 =	simm.s32 @!p0 $0xC;
	[sflag:s0] =	ssyncadd.s32 $0xFFFFFF00  }
0x59: {  	_ =	swait.ge @!p0 [sflag:s26], $0x4000  }
0x5a: {  	[sflag:s26] =	ssyncset.done @!p0 $0x0  }
0x5b: {  	[sflag:s26] =	ssyncadd.s32 @!p0 $0xFFFFC000  }
0x5c: {  	[tilespmem:s5], [sflag:$0x8] =	stream.indirect.gather [hbm4b:s3+s21], $0x40, s19, s21, $0xb8;
	[tilespmem:$0x10400] =	vst v63  }
0x5d: {  	_ = 	snop  }
0x5e: {  	[tilespmem:s7], [sflag:$0x8] =	stream.indirect.gather [hbm4b:s3+s21], $0x40, s6, s21, $0xb8;
	[tilespmem:$0x10400] =	vst v63  }
0x5f: {  	_ =	swait.ge [sflag:s8], $0x2000  }
0x60: {  	[sflag:s8] =	ssyncset.done $0x0  }
0x61: {  	[sflag:s8] =	ssyncadd.s32 $0xFFFFE000  }
0x62: {  	_ =	swait.ge [sflag:s8], $0x2000  }
0x63: {  	[sflag:s8] =	ssyncset.done $0x0  }
0x64: {  	s28 =	sadd.s32 s18, s9;
	p0 =	seq.s32 s18, $0xA6000;
	[sflag:s8] =	ssyncadd.s32 $0xFFFFE000  }
0x65: {  	[hbm4b:s28+s2] =	stream.linear.scatter [tilespmem:s22], [sflag:$0x9], $0x4000, $0x38;
	[tilespmem:$0x10400] =	vst v63  }
0x66: {  	s26 =	simm.s32 @!p0 $0x0  }
0x67: {  	[tilespmem:s26], [sflag:$0x1] =	stream.linear.gather @!p0 [hbm4b:s16+s26], $0x100, $0x38;
	[tilespmem:$0x10400] =	vst v63  }
0x68: {  	_ =	swait.ge [sflag:s4], $0x2000  }
0x69: {  	[sflag:s4] =	ssyncset.done $0x0  }
0x6a: {  	[sflag:s4] =	ssyncadd.s32 $0xFFFFE000  }
0x6b: {  	_ =	swait.ge [sflag:s4], $0x2000  }
0x6c: {  	[sflag:s4] =	ssyncset.done $0x0  }
0x6d: {  	s28 =	sadd.s32 s18, s12;
	[sflag:s4] =	ssyncadd.s32 $0xFFFFE000  }
0x6e: {  	[hbm4b:s28+s2] =	stream.linear.scatter [tilespmem:s25], [sflag:$0xA], $0x4000, $0x38;
	[tilespmem:$0x10400] =	vst v63  }
0x6f: {  	s28 =	simm.s32 @!p0 $0x100  }
0x70: {  	[tilespmem:s28], [sflag:$0x2] =	stream.linear.gather @!p0 [hbm4b:s15+s26], $0x100, $0x38;
	[tilespmem:$0x10400] =	vst v63  }
0x71: {  	_ =	swait.ge [sflag:s13], $0x2000  }
0x72: {  	[sflag:s13] =	ssyncset.done $0x0  }
0x73: {  	[sflag:s13] =	ssyncadd.s32 $0xFFFFE000  }
0x74: {  	_ =	swait.ge [sflag:s13], $0x2000  }
0x75: {  	[sflag:s13] =	ssyncset.done $0x0  }
0x76: {  	s28 =	sadd.s32 s18, s11;
	[sflag:s13] =	ssyncadd.s32 $0xFFFFE000  }
0x77: {  	[hbm4b:s28+s2] =	stream.linear.scatter [tilespmem:s30], [sflag:$0xB], $0x4000, $0x38;
	[tilespmem:$0x10400] =	vst v63  }
0x78: {  	s28 =	simm.s32 @!p0 $0x200  }
0x79: {  	[tilespmem:s28], [sflag:$0x3] =	stream.linear.gather @!p0 [hbm4b:s17+s26], $0x100, $0x38;
	[tilespmem:$0x10400] =	vst v63  }
0x7a: {  	_ =	swait.ge [sflag:s14], $0x2000  }
0x7b: {  	[sflag:s14] =	ssyncset.done $0x0  }
.Ltmp2:
0x7c: {  	[sflag:s14] =	ssyncadd.s32 $0xFFFFE000;
	(pc) =	sbr.rel @p0 .LBB2_4-.Ltmp2, $4  }
0x7d: {  	_ =	swait.ge [sflag:s14], $0x2000  }
0x7e: {  	[sflag:s14] =	ssyncset.done $0x0  }
0x7f: {  	s28 =	sadd.s32 s18, s10;
	[sflag:s14] =	ssyncadd.s32 $0xFFFFE000  }
0x80: {  	[hbm4b:s28+s2] =	stream.linear.scatter [tilespmem:s5], [sflag:$0xC], $0x4000, $0x38;
	[tilespmem:$0x10400] =	vst v63  }
.Ltmp3:
0x81: {  	(pc) =	sbr.rel .LBB2_2-.Ltmp3, $4  }
0x82: {  	_ = 	snop  }
0x83: {  	[tilespmem:s19], [sflag:$0x4] =	stream.linear.gather [hbm4b:s23+s2], $0x100, $0x38;
	[tilespmem:$0x10400] =	vst v63  }
0x84: {  	s18 =	sadd.s32 $0x2000, s18;
	s23 =	sadd.s32 $0x80, s23  }
0x85: {  	s17 =	sadd.s32 $0x80, s17;
	s15 =	sadd.s32 $0x80, s15;
	s16 =	sadd.s32 $0x80, s16  }
.LBB2_5:
0x86: {  	_ =	sfence.sel $0x180000  }
0x87: {  	[bflag:$0x0] =	sbarrier.arrive $0xFFFF  }
0x88: {  	_ =	strace $0x90000047  }
0x89: {  	s0 =	stileid.u32;
	[bflag:$0x2] =	sbarrier.arrive $0xFFFF  }
0x8a: {  	p0 =	sne.s32 s0, $0x0;
	s0 =	rddreg [dreg:$0x2]  }
0x8b: {  	s0 =	sadd.s32 @!p0 $0x100000, s0  }
0x8c: {  	[sflag:s0] =	ssyncadd.tile.s32 @!p0 $0x1;
	_ =	shalt  }
.Lfunc_end2:
_tile_overlayer_lowered:
.L_overlay_start_2:
0x8d: {  	(tag) =	ssettag $0x2  }
0x8e: {  	s0 =	rddreg [dreg:$0x0];
	s2 =	stileid.u32  }
0x8f: {  	s1 =	rddreg [dreg:$0x1];
	p0 =	sne.s32 s2, $0x0  }
0x90: {  	s3 =	rddreg [dreg:$0x2];
	[bflag:$0x3] =	sbarrier.arrive $0xFFFF;
	s2 =	simm.s32 @!p0 $0x1C0D  }
0x91: {  	[timem:s3], [sflag:s2] =	dma.local @!p0 [hbm:s0], s1  }
0x92: {  	s0 =	simm.s32 @!p0 $0xD  }
0x93: {  	_ =	swait.ge @!p0 [sflag:s0], s1  }
0x94: {  	s1 =	ssub.s32 @!p0 $0x0, s1;
	[sflag:s0] =	ssyncset.done @!p0 $0x0  }
0x95: {  	[sflag:s0] =	ssyncadd.s32 @!p0 s1  }
0x96: {  	[bflag:$0x3] =	sbarrier.arrive $0xFFFF  }
0x97: {  	_ =	shalt  }

// kernel: sparse-core-data-format-call.cloned.1.call-start
scs
called_computation_lowered:
.L_overlay_start_0:
0x0: {  	s2 =	sld [smem:$0x3FD9]  }
0x1: {  	s3 =	sld [smem:$0x3FFE];
	_ =	sdelay $0x1  }
0x2: {  	s1 =	srdreg.scid  }
0x3: {  	s0 =	sand.u32 $0x1, s1  }
0x4: {  	s18 =	sshll.u32 s0, $0xA;
	s2 =	sadd.s32 s3, s2  }
0x5: {  	s2 =	sadd.s32 s2, s18  }
0x6: {  	[smem:$0x3FC6] =	sst s2  }
0x7: {  	_ = 	snop  }
0x8: {  	s2 =	sld [smem:$0x3FD0];
	(tm) =	ssettm $0x1  }
0x9: {  	s19 =	sld [smem:$0x3FFB];
	_ =	sdelay $0x3  }
0xa: {  	_ =	strace s19  }
0xb: {  	s3 =	sld [smem:$0x3FFC];
	_ =	sdelay $0x3  }
0xc: {  	_ =	strace s3  }
0xd: {  	s3 =	sld [smem:$0x3FFD];
	_ =	sdelay $0x3  }
0xe: {  	_ =	strace s3  }
0xf: {  	_ =	strace $0x8FFFFFFF  }
0x10: {  	s20 =	sld [smem:$0x3FDB];
	_ =	sdelay $0x1  }
0x11: {  	s4 =	simm.s32 $_scs_section_size  }
0x12: {  	s5 =	simm.s32 $_size__tile_overlayer_lowered;
	s6 =	simm.s32 $_tile_overlayer_lowered  }
0x13: {  	s23 =	simm.s32 $0x1BFF;
	s22 =	sshll.u32 s6, $0x1;
	s3 =	sadd.s32 s4, s20  }
0x14: {  	s7 =	simm.s32 $0x0;
	s21 =	sshll.u32 s5, $0x1;
	s5 =	sadd.s32 s22, s3  }
0x15: {  	[timem:s7], [sflag:s23] =	dma.local [hbm:s5], s21  }
0x16: {  	_ =	swait.ge [sflag:s23], s21  }
0x17: {  	s4 =	ssub.s32 $0x0, s21;
	[sflag:s23] =	ssyncset.done $0x0  }
0x18: {  	[sflag:s23] =	ssyncadd.s32 s4;
	_ =	sdelay $0x1  }
0x19: {  	s24 =	simm.s32 $0x1B8B  }
0x1a: {  	_ =	swait.ge [sflag:s24], $0x1  }
0x1b: {  	[sflag:s24] =	ssyncset.done $0x0  }
0x1c: {  	s26 =	simm.s32 $0x1B8E;
	s25 =	sld [smem:$0x3FFE];
	[sflag:s24] =	ssyncadd.s32 $0xFFFFFFFF  }
0x1d: {  	s27 =	simm.s32 $execute0_lowered;
	[smem:$0x3FD2] =	sst s26  }
0x1e: {  	s5 =	sshll.u32 s27, $0x1;
	_ =	strace $0x80000049;
	[dreg:$0x1] =	wrdreg $0xFFFFFFFF  }
0x1f: {  	s28 =	simm.s32 $_size_execute0_lowered;
	s3 =	sadd.s32 s3, s5;
	[dreg:$0x0] =	wrdreg $0x0  }
0x20: {  	s5 =	sshll.u32 s28, $0x1;
	[dreg:$0x2] =	wrdreg s3  }
0x21: {  	[dreg:$0x3] =	wrdreg s5  }
0x22: {  	[dreg:$0x4] =	wrdreg $0xC0  }
0x23: {  	_ =	task [dreg:s7], $0x5FFFF  }
0x24: {  	[dreg:$0x1] =	wrdreg $0xFFFFFFFF  }
0x25: {  	[dreg:$0x0] =	wrdreg $0x60  }
0x26: {  	[dreg:$0x2] =	wrdreg s25  }
0x27: {  	[dreg:$0x3] =	wrdreg s2  }
0x28: {  	[dreg:$0x4] =	wrdreg $0x9  }
0x29: {  	_ =	task.clear_ibuf [dreg:s7], $0x5FFFF;
	_ =	strace $0x90000049  }
0x2a: {  	s29 =	simm.s32 $0x9;
	_ =	strace $0x8000004B  }
0x2b: {  	_ =	swait.ge [sflag:s29], $0x1  }
0x2c: {  	[sflag:s29] =	ssyncadd.s32 $0xFFFFFFFF  }
0x2d: {  	_ =	strace $0x9000004B  }
0x2e: {  	_ =	sfence  }
0x2f: {  	s30 =	sld [smem:$0x0];
	_ =	sdelay $0x2  }
0x30: {  	s31 =	sshll.u32 s1, $0xD;
	s1 =	sshrl.u32 s1, $0x2  }
0x31: {  	s3 =	sand.u32 $0x4000, s31;
	s1 =	sadd.s32 s1, s30  }
0x32: {  	s0 =	sor.u32 s3, s0;
	s1 =	sshll.u32 s1, $0x11  }
0x33: {  	s0 =	sor.u32 s1, s0  }
0x34: {  	s0 =	sadd.s32 $0x8F2B, s0  }
0x35: {  	[sflag:s0] =	ssyncadd.remote.s32 $0x1  }
0x36: {  	_ =	sfence.sel $0xFFFF  }
0x37: {  	[dreg:$0x0] =	wrdreg $0xFFFFFFFF;
	(pc) =	sbr.abs _section_cstart, $3  }
0x38: {  	[dreg:$0x1] =	wrdreg $0xFFFFFFFF  }
0x39: {  	_ =	task.clear_ibuf [dreg:s7], $0x2FFFF;
	_ =	strace $0x9FFFFFFF  }
0x3a: {  	(tm) =	ssettm $0x7FFFFFFF  }
0x3b: {  	_ =	shalt  }
tec
execute0_lowered:
.L_overlay_start_1:
0x0: {  	(tag) =	ssettag $0x1  }
0x1: {  	s0 =	srdreg.scid  }
0x2: {  	s1 =	sshll.u32 s0, $0x4  }
0x3: {  	s0 =	stileid.u32;
	s1 =	sand.u32 $0x10, s1  }
0x4: {  	s1 =	sor.u32 s0, s1  }
0x5: {  	s6 =	rddreg [dreg:$0x0];
	s4 =	simm.s32 $0x1;
	s2 =	sshll.u32 s1, $0x7  }
0x6: {  	s7 =	simm.s32 $0x2;
	s12 =	simm.s32 $0x0;
	s1 =	ssub.s32 $0x4000, s2  }
0x7: {  	s8 =	simm.s32 $0x20000;
	s13 =	simm.s32 $0x0;
	s3 =	sand.u32 $0xF80, s1  }
0x8: {  	s9 =	simm.s32 $0x0;
	s5 =	sshrl.u32 s1, $0xC;
	p0 =	sne.s32 s3, $0x0  }
.Ltmp0:
0x9: {  	s1 =	rddreg [dreg:$0x2];
	s4 =	simm.s32 @!p0 $0x0;
	(pc) =	sbr.rel .LBB1_1-.Ltmp0, $4  }
0xa: {  	s11 =	simm.s32 $0x0;
	s3 =	rddreg [dreg:$0x1];
	s5 =	sadd.s32 s4, s5  }
0xb: {  	_ =	strace $0x8000004A;
	s4 =	simm.s32 $0x1;
	s5 =	smul.u32 $0xC8, s5  }
0xc: {  	s6 =	sadd.s32 $0x3D02A00, s6;
	s10 =	smov.u32 s2;
	[sflag:s4] =	ssyncpa.u1 $0x0  }
0xd: {  	p0 =	por $0x0, $0x0;
	[sflag:s7] =	ssyncpa.u1 $0x0;
	s7 =	sor.u32 $0x1, s5  }
.LBB1_4:
0xe: {  	s16 =	sshll.u32 s13, $0x3;
	s17 =	sand.u32 $0x78, s13  }
0xf: {  	s30 =	sand.u32 $0x1F800, s13;
	s12 =	sshll.u32 s12, $0x11;
	s16 =	sand.u32 $0x3C00, s16  }
0x10: {  	[tilespmem:s15+$0x810 ss:$0x81] =	vst.msk $0xffff, v2;
	s31 =	sand.u32 $0x7, s13;
	s16 =	sor.u32 s17, s16;
	s17 =	sadd.s32 s3, s30  }
0x11: {  	[tilespmem:s15+$0x1020 ss:$0x81] =	vst.msk $0xffff, v0;
	s13 =	sshll.u32 s31, $0x12;
	s12 =	sadd.s32 s12, s17;
	s16 =	sshrl.u32 s16, $0x3  }
0x12: {  	[tilespmem:s15+$0x0 ss:$0x81] =	vst.msk $0xffff, v1;
	s13 =	sor.u32 $0x400, s13;
	s12 =	sadd.s32 s16, s12  }
0x13: {  	[hbm4b:s12+s13] =	stream.strided.scatter [tilespmem:s14], [sflag:$0x2], $0x2000, s8, s13, $0x20;
	[tilespmem:$0x8080] =	vst v63  }
.LBB1_5:
0x14: {  	s14 =	sadd.s32 $0x1, s9  }
0x15: {  	s12 =	sadd.s32 $0x1000, s10;
	s16 =	smov.u32 s10;
	p2 =	sgt.s32 s14, $0xC7  }
0x16: {  	s16 =	smov.u32 @p2 s12  }
0x17: {  	s14 =	simm.s32 @p2 $0x0;
	p2 =	sgt.s32 s16, $0x3FFF  }
0x18: {  	s16 =	smov.u32 @p2 s2;
	p2 =	sne.s32 s11, s7  }
.Ltmp1:
0x19: {  	p1 =	slt.u32 s11, $0x2;
	(pc) =	sbr.rel @!p2 .LBB1_6-.Ltmp1, $4  }
0x1a: {  	s15 =	simm.s32 @!p1 $0x2  }
0x1b: {  	s13 =	smov.u32 s10;
	p0 =	por !p0, !p0;
	_ =	swait.ge @!p1 [sflag:s15], $0x2000  }
0x1c: {  	s12 =	smov.u32 s9;
	[sflag:s15] =	ssyncset.done @!p1 $0x0;
	s9 =	smov.u32 s14  }
0x1d: {  	s11 =	sadd.s32 $0x1, s11;
	[sflag:s15] =	ssyncadd.s32 @!p1 $0xFFFFE000;
	s10 =	smov.u32 s16  }
.LBB1_1:
0x1e: {  	p1 =	sge.u32 s11, s5  }
0x1f: {  	s14 =	sand.u32 @!p1 $0x1FFFFFF, s9  }
0x20: {  	s15 =	smulhi.u32 @!p1 $0x147AE15, s14;
	_ =	sdelay $0x1  }
0x21: {  	s15 =	smul.u32 @!p1 $0xC8, s15  }
0x22: {  	s16 =	sxor.u32 @!p1 $0xFFFFFFFF, s11;
	s17 =	smul.u32 @!p1 $0xC80, s10  }
0x23: {  	s31 =	sadd.s32 $0xFFFFFFFF, s11;
	s16 =	sshll.u32 @!p1 s16, $0xD;
	s14 =	ssub.s32 @!p1 s14, s15  }
0x24: {  	s15 =	sand.u32 @!p1 $0x2000, s16;
	s16 =	sadd.s32 @!p1 s6, s17;
	s14 =	sshll.u32 @!p1 s14, $0x4  }
0x25: {  	s17 =	simm.s32 @!p1 $0x6400;
	s14 =	sadd.s32 @!p1 s14, s16;
	s16 =	simm.s32 @!p1 $0x40  }
0x26: {  	[tilespmem:s15], [sflag:$0x1] =	stream.strided.gather @!p1 [hbm4b:s14+s16], $0x2000, s17, s16, $0x38;
	[tilespmem:$0x8080] =	vst v63  }
0x27: {  	p1 =	sge.u32 s31, s5  }
.Ltmp2:
0x28: {  	_ = 	snop;
	(pc) =	sbr.rel @p1 .LBB1_5-.Ltmp2, $1  }
0x29: {  	_ =	sdelay $0x3  }
0x2a: {  	s14 =	simm.s32 $0x1  }
0x2b: {  	_ =	swait.ge [sflag:s4], $0x2000;
	s14 =	simm.s32 @!p0 $0x0  }
0x2c: {  	[sflag:s4] =	ssyncset.done $0x0;
	s15 =	sshll.u32 s14, $0xD  }
0x2d: {  	[sflag:s4] =	ssyncadd.s32 $0xFFFFE000;
	s18 =	sor.u32 $0x20, s15  }
0x2e: {  	s14 =	smul.u32 $0x8100, s14;
	v3 =	vld [tilespmem:s18+$0x10]  }
0x2f: {  	s30 =	sand.u32 $0x1, s11;
	v2 =	vld [tilespmem:s18+$0xFFFFFFF0]  }
0x30: {  	s15 =	smul.u32 $0x8100, s30;
	s14 =	sshrl.u32 s14, $0x2;
	v0 =	vld [tilespmem:s18+$0x0]  }
0x31: {  	v1 =	vld [tilespmem:s18+$0xFFFFFFE0];
	s16 =	sor.u32 $0x4000, s14  }
0x32: {  	s31 =	sshrl.u32 s15, $0x2;
	s15 =	sadd.s32 $0x0, s16  }
0x33: {  	s17 =	simm.s32 $0x4;
	s18 =	sadd.s32 $0x40, s18;
	s14 =	sor.u32 $0x4000, s31;
	[tilespmem:s15+$0x1830 ss:$0x81] =	vst.msk $0xffff, v3  }
.LBB1_3:
0x34: {  	v3 =	vld [tilespmem:s18+$0x10];
	p1 =	sne.s32 s17, $0x1FC;
	[tilespmem:s15+$0x810 ss:$0x81] =	vst.msk $0xffff, v2;
	s19 =	smov.u32 s17;
	s17 =	sadd.s32 $0x4, s17  }
.Ltmp3:
0x35: {  	v2 =	vld [tilespmem:s18+$0xFFFFFFF0];
	[tilespmem:s15+$0x1020 ss:$0x81] =	vst.msk $0xffff, v0;
	(pc) =	sbr.rel @p1 .LBB1_3-.Ltmp3, $4  }
0x36: {  	v0 =	vld [tilespmem:s18+$0x0];
	[tilespmem:s15+$0x0 ss:$0x81] =	vst.msk $0xffff, v1  }
0x37: {  	s15 =	sshra.s32 s19, $0x2;
	v1 =	vld [tilespmem:s18+$0xFFFFFFE0]  }
0x38: {  	s15 =	sadd.s32 s15, s16  }
0x39: {  	s18 =	sadd.s32 $0x40, s18;
	[tilespmem:s15+$0x1830 ss:$0x81] =	vst.msk $0xffff, v3  }
.Ltmp4:
0x3a: {  	_ = 	snop;
	(pc) =	sbr.rel .LBB1_4-.Ltmp4, $1  }
0x3b: {  	_ =	sdelay $0x3  }
.LBB1_6:
0x3c: {  	_ =	sfence.sel $0x180000  }
0x3d: {  	s2 =	simm.s32 $0x1;
	[bflag:$0x0] =	sbarrier.arrive $0xFFFF  }
0x3e: {  	s31 =	simm.s32 $0x2;
	[sflag:s2] =	ssyncpa.u1 $0x1  }
0x3f: {  	[sflag:s31] =	ssyncpa.u1 $0x1  }
0x40: {  	p0 =	sne.s32 s0, $0x0;
	_ =	strace $0x9000004A  }
0x41: {  	s0 =	sadd.s32 @!p0 $0x100000, s1;
	[bflag:$0x2] =	sbarrier.arrive $0xFFFF  }
0x42: {  	[sflag:s0] =	ssyncadd.tile.s32 @!p0 $0x1;
	_ =	shalt  }
.Lfunc_end1:
_tile_overlayer_lowered:
.L_overlay_start_2:
0x43: {  	(tag) =	ssettag $0x2  }
0x44: {  	s0 =	rddreg [dreg:$0x0];
	s2 =	stileid.u32  }
0x45: {  	s1 =	rddreg [dreg:$0x1];
	p0 =	sne.s32 s2, $0x0  }
0x46: {  	s3 =	rddreg [dreg:$0x2];
	[bflag:$0x3] =	sbarrier.arrive $0xFFFF;
	s2 =	simm.s32 @!p0 $0x1C01  }
0x47: {  	[timem:s3], [sflag:s2] =	dma.local @!p0 [hbm:s0], s1  }
0x48: {  	s0 =	simm.s32 @!p0 $0x1  }
0x49: {  	_ =	swait.ge @!p0 [sflag:s0], s1  }
0x4a: {  	s1 =	ssub.s32 @!p0 $0x0, s1;
	[sflag:s0] =	ssyncset.done @!p0 $0x0  }
0x4b: {  	[sflag:s0] =	ssyncadd.s32 @!p0 s1  }
0x4c: {  	[bflag:$0x3] =	sbarrier.arrive $0xFFFF  }
0x4d: {  	_ =	shalt  }

</sc_bundles>
